<compile_context>
chip_gen: v7x
topology: tpu7x:2x2x1
jax: 0.10.2.dev20260603
libtpu: 0.0.44.dev20260713+nightly
codegen_flags: <defaults>
</compile_context>

<pallas_src>
import functools

import jax
import jax.numpy as jnp
from jax import lax
from jax.experimental import pallas as pl
from jax.experimental.pallas import tpu as pltpu
from jax.experimental.pallas import tpu_sc as plsc

_K = 5
_LANES = 16
_ROWS_PER_WORKER = 16


def _make_sc_gather(batch, num_classes):
    rpw = _ROWS_PER_WORKER
    num_workers = batch // rpw
    mesh = plsc.VectorSubcoreMesh(
        core_axis_name="c", subcore_axis_name="s", num_cores=1,
        num_subcores=num_workers,
    )

    @functools.partial(
        pl.kernel,
        out_type=jax.ShapeDtypeStruct((batch,), jnp.float32),
        mesh=mesh,
        scratch_types=[
            pltpu.VMEM((rpw,), jnp.int32),
            pltpu.VMEM((rpw, 8, 128), jnp.float32),
            pltpu.VMEM((rpw,), jnp.float32),
            pltpu.SemaphoreType.DMA,
        ],
        compiler_params=pltpu.CompilerParams(
            use_tc_tiling_on_sc=True,
            needs_layout_passes=False,
        ),
    )
    def gather_kernel(prob_hbm, label_hbm, out_hbm, lab_v, win_v, val_v, sem):
        cid = lax.axis_index("c")
        sid = lax.axis_index("s")
        wid = sid + cid * num_workers

        @pl.when(wid < num_workers)
        def _():
            base = wid * rpw
            pltpu.sync_copy(label_hbm.at[pl.ds(base, rpw)], lab_v)
            lanes = lax.iota(jnp.int32, _LANES)
            copies = []
            for c in range(rpw // _LANES):
                lab = lab_v[pl.ds(c * _LANES, _LANES)]
                for r16 in range(_LANES):
                    r = c * _LANES + r16
                    lab_r = jnp.max(jnp.where(lanes == r16, lab, 0))
                    j0 = pl.multiple_of(jnp.bitwise_and(lab_r, ~127), 128)
                    band = pl.multiple_of(base + (r & ~7), 8)
                    copies.append(
                        pltpu.async_copy(
                            prob_hbm.at[pl.ds(band, 8), pl.ds(j0, 128)],
                            win_v.at[r],
                            sem,
                        )
                    )
            for cp in copies:
                cp.wait()
            for c in range(rpw // _LANES):
                lab = lab_v[pl.ds(c * _LANES, _LANES)]
                vals = plsc.load_gather(
                    win_v,
                    [
                        lanes + c * _LANES,
                        jnp.bitwise_and(lanes, 7),
                        jnp.bitwise_and(lab, 127),
                    ],
                )
                val_v[pl.ds(c * _LANES, _LANES)] = vals
            pltpu.sync_copy(val_v, out_hbm.at[pl.ds(base, rpw)])

    return gather_kernel


def _make_tc_count(batch, num_classes, blk):
    grid = (num_classes // blk,)

    def body(prob_ref, v_ref, out_ref, acc_ref):
        i = pl.program_id(0)

        @pl.when(i == 0)
        def _():
            acc_ref[...] = jnp.zeros_like(acc_ref)

        ge = (prob_ref[...] >= v_ref[...]).astype(jnp.float32)
        acc_ref[...] = acc_ref[...] + jnp.sum(ge, axis=1, keepdims=True)

        @pl.when(i == grid[0] - 1)
        def _():
            hits = (acc_ref[...] <= float(_K)).astype(jnp.float32)
            out_ref[0] = jnp.sum(hits) / float(batch)

    return pl.pallas_call(
        body,
        grid=grid,
        in_specs=[
            pl.BlockSpec((batch, blk), lambda i: (0, i)),
            pl.BlockSpec((batch, 1), lambda i: (0, 0)),
        ],
        out_specs=pl.BlockSpec(memory_space=pltpu.SMEM),
        out_shape=jax.ShapeDtypeStruct((1,), jnp.float32),
        scratch_shapes=[pltpu.VMEM((batch, 1), jnp.float32)],
    )


@jax.jit
def kernel(prob, label):
    batch, num_classes = prob.shape
    v = _make_sc_gather(batch, num_classes)(prob, label)
    out = _make_tc_count(batch, num_classes, 8192)(prob, v.reshape(batch, 1))
    return out[0]

# --- scband reference (transcript-rebuilt; emitter-appended) ---
"""Pipeline reference for scband-acc-g-82386062672505 (READ-ONLY COPY).

The authoritative reference and input builder live on the scoring server;
editing this copy changes nothing except your own understanding.
"""

import jax, jax.numpy as jnp
import numpy as np

K = 5
NUM_CLASSES = 32768
BATCH = 128


def setup_inputs(seed: int = 0) -> dict:
    key = jax.random.key(seed)
    k1, k2 = jax.random.split(key)
    prob = jax.random.normal(k1, (BATCH, NUM_CLASSES), dtype=jnp.float32)
    label = jax.random.randint(k2, (BATCH,), 0, NUM_CLASSES, dtype=jnp.int32)
    return {"prob": prob, "label": label}


def reference(prob, label):
    # one-hot the label if it is a 1-D class-index vector (matches F.one_hot)
    if label.ndim == 1:
        label_oh = jax.nn.one_hot(label, NUM_CLASSES, dtype=jnp.float32)
    else:
        label_oh = label.astype(jnp.float32)
    # prob.sort(dim=1, descending=True)
    sorted_desc = -jnp.sort(-prob, axis=1)
    # threshold = (k+1)-th largest value per row (0-based index K)
    thresh = sorted_desc[:, K][:, None]
    # pred = 1 where strictly above threshold else 0 (torch.where with ones/zeros like label)
    pred = jnp.where(prob > thresh, jnp.ones_like(label_oh), jnp.zeros_like(label_oh))
    # label.long() & pred.long() on 0/1 tensors == elementwise product
    inter = label_oh * pred
    # correct = number of rows whose intersection has any positive entry
    row_hit = (jnp.sum(inter, axis=1) > 0).astype(jnp.float32)
    correct = jnp.sum(row_hit)
    batch_size = prob.shape[0]
    return correct / batch_size

if __name__ == "__main__":
    import jax
    _d = setup_inputs()
    print(jax.jit(kernel)(*tuple(_d.values())))

</pallas_src>

<mosaic_0001>
#map = affine_map<(d0, d1) -> (0, 0)>
#map1 = affine_map<(d0, d1) -> (0)>
module attributes {stable_mosaic.version = 14 : i64} {
  func.func @gather_kernel(%arg0: i32, %arg1: i32, %arg2: memref<128x32768xf32, #tpu.memory_space<hbm>>, %arg3: memref<128xi32, #tpu.memory_space<hbm>>, %arg4: memref<128xf32, #tpu.memory_space<hbm>>, %arg5: memref<16xi32, #tpu.memory_space<vmem>>, %arg6: memref<16x8x128xf32, #tpu.memory_space<vmem>>, %arg7: memref<16xf32, #tpu.memory_space<vmem>>, %arg8: memref<!tpu.dma_semaphore, #tpu.memory_space<semaphore_mem>>) attributes {dimension_semantics = [#tpu.dimension_semantics<core_parallel>, #tpu.dimension_semantics<subcore_parallel>], iteration_bounds = array<i64: 1, 8>, scalar_prefetch = 0 : i64, scratch_operands = 4 : i64, tpu.core_type = #tpu.core_type<sc_vector_subcore>, window_params = [{transform_indices = #map}, {transform_indices = #map1}, {transform_indices = #map1}]} {
    %mul3A = arith.constant 8 : i32
    %mul3A_0 = arith.muli %arg0, %mul3A : i32
    %add3A = arith.addi %arg1, %mul3A_0 : i32
    %lt3A = arith.constant 8 : i32
    %lt3A_1 = arith.cmpi slt, %add3A, %lt3A : i32
    %convert_element_type3A = arith.extui %lt3A_1 : i1 to i32
    %cond3A = arith.constant 0 : i32
    %cond3A_2 = arith.cmpi ne, %convert_element_type3A, %cond3A : i32
    scf.if %cond3A_2 {
      %mul3A_3 = arith.constant 16 : i32
      %mul3A_4 = arith.muli %add3A, %mul3A_3 : i32
      "tpu.region"() ({
        %run_scoped3A = tpu.sem_alloc : memref<!tpu.dma_semaphore, #tpu.memory_space<semaphore_mem>>
        %dma_start3A_681 = tpu.memref_slice %arg3[%mul3A_4] : memref<128xi32, #tpu.memory_space<hbm>> -> memref<16xi32, #tpu.memory_space<hbm>>
        %dma_start3A_682 = tpu.memref_slice %arg3[%mul3A_4] : memref<128xi32, #tpu.memory_space<hbm>> -> memref<16xi32, #tpu.memory_space<hbm>>
        tpu.enqueue_dma source(%dma_start3A_682 : memref<16xi32, #tpu.memory_space<hbm>>) target(%arg5 : memref<16xi32, #tpu.memory_space<vmem>>) target_semaphore(%run_scoped3A : memref<!tpu.dma_semaphore, #tpu.memory_space<semaphore_mem>>)
        %dma_wait3A_683 = tpu.memref_slice %arg3[%mul3A_4] : memref<128xi32, #tpu.memory_space<hbm>> -> memref<16xi32, #tpu.memory_space<hbm>>
        %dma_wait3A_684 = tpu.memref_slice %arg3[%mul3A_4] : memref<128xi32, #tpu.memory_space<hbm>> -> memref<16xi32, #tpu.memory_space<hbm>>
        tpu.wait_dma2 semaphore(%run_scoped3A : memref<!tpu.dma_semaphore, #tpu.memory_space<semaphore_mem>>) src(%dma_wait3A_684 : memref<16xi32, #tpu.memory_space<hbm>>) dst(%arg5 : memref<16xi32, #tpu.memory_space<vmem>>)
        tpu.yield
      }) : () -> ()
      %iota3A = tpu.iota {dimensions = array<i32: 0>} : vector<16xi32>
      %get3A = arith.constant 0 : index
      %get3A_5 = tpu.vector_load %arg5[%get3A] {strides = array<i32>} : memref<16xi32, #tpu.memory_space<vmem>>, vector<16xi32>,
      %eq3A = arith.constant 0 : i32
      %eq3A_6 = vector.broadcast %eq3A : i32 to vector<16xi32>
      %eq3A_7 = arith.cmpi eq, %iota3A, %eq3A_6 : vector<16xi32>
      %jit3A = arith.constant 0 : i32
      %broadcast_in_dim3A = vector.broadcast %jit3A : i32 to vector<16xi32>
      %select_n3A = arith.select %eq3A_7, %get3A_5, %broadcast_in_dim3A : vector<16xi1>, vector<16xi32>
      %reduce_max3A = arith.constant true
      %reduce_max3A_8 = vector.broadcast %reduce_max3A : i1 to vector<16xi1>
      %reduce_max3A_9 = arith.constant -2147483648 : i32
      %reduce_max3A_10 = vector.broadcast %reduce_max3A_9 : i32 to vector<16xi32>
      %reduce_max3A_11 = arith.xori %select_n3A, %reduce_max3A_10 : vector<16xi32>
      %reduce_max3A_12 = tpu.scan <max>, %reduce_max3A_11 masked %reduce_max3A_8 : vector<16xi32>, vector<16xi1> -> vector<16xi32>
      %reduce_max3A_13 = arith.xori %reduce_max3A_12, %reduce_max3A_10 : vector<16xi32>
      %reduce_max3A_14 = vector.extract %reduce_max3A_13[15] : i32 from vector<16xi32>
      %and3A = arith.constant -128 : i32
      %and3A_15 = arith.andi %reduce_max3A_14, %and3A : i32
      %multiple_of3A = tpu.assume_multiple %and3A_15, 128 : i32
      %add3A_16 = arith.constant 0 : i32
      %add3A_17 = arith.addi %mul3A_4, %add3A_16 : i32
      %multiple_of3A_18 = tpu.assume_multiple %add3A_17, 8 : i32
      %dma_start3A = arith.constant 0 : i32
      %dma_start3A_19 = arith.constant 0 : i32
      %dma_start3A_20 = arith.constant 0 : i32
      %dma_start3A_21 = tpu.memref_slice %arg6[%dma_start3A, %dma_start3A_19, %dma_start3A_20] : memref<16x8x128xf32, #tpu.memory_space<vmem>> -> memref<1x8x128xf32, #tpu.memory_space<vmem>>
      %dma_start3A_22 = tpu.memref_squeeze %dma_start3A_21 : memref<1x8x128xf32, #tpu.memory_space<vmem>> -> memref<8x128xf32, #tpu.memory_space<vmem>>
      %dma_start3A_23 = tpu.memref_slice %arg2[%multiple_of3A_18, %multiple_of3A] : memref<128x32768xf32, #tpu.memory_space<hbm>> -> memref<8x128xf32, #tpu.memory_space<hbm>>
      %dma_start3A_24 = arith.constant 0 : i32
      %dma_start3A_25 = arith.constant 0 : i32
      %dma_start3A_26 = tpu.memref_slice %arg6[%dma_start3A, %dma_start3A_24, %dma_start3A_25] : memref<16x8x128xf32, #tpu.memory_space<vmem>> -> memref<1x8x128xf32, #tpu.memory_space<vmem>>
      %dma_start3A_27 = tpu.memref_squeeze %dma_start3A_26 : memref<1x8x128xf32, #tpu.memory_space<vmem>> -> memref<8x128xf32, #tpu.memory_space<vmem>>
      %dma_start3A_28 = tpu.memref_slice %arg2[%multiple_of3A_18, %multiple_of3A] : memref<128x32768xf32, #tpu.memory_space<hbm>> -> memref<8x128xf32, #tpu.memory_space<hbm>>
      tpu.enqueue_dma source(%dma_start3A_28 : memref<8x128xf32, #tpu.memory_space<hbm>>) target(%dma_start3A_27 : memref<8x128xf32, #tpu.memory_space<vmem>>) target_semaphore(%arg8 : memref<!tpu.dma_semaphore, #tpu.memory_space<semaphore_mem>>)
      %eq3A_29 = arith.constant 1 : i32
      %eq3A_30 = vector.broadcast %eq3A_29 : i32 to vector<16xi32>
      %eq3A_31 = arith.cmpi eq, %iota3A, %eq3A_30 : vector<16xi32>
      %jit3A_32 = arith.constant 0 : i32
      %broadcast_in_dim3A_33 = vector.broadcast %jit3A_32 : i32 to vector<16xi32>
      %select_n3A_34 = arith.select %eq3A_31, %get3A_5, %broadcast_in_dim3A_33 : vector<16xi1>, vector<16xi32>
      %reduce_max3A_35 = arith.constant true
      %reduce_max3A_36 = vector.broadcast %reduce_max3A_35 : i1 to vector<16xi1>
      %reduce_max3A_37 = arith.constant -2147483648 : i32
      %reduce_max3A_38 = vector.broadcast %reduce_max3A_37 : i32 to vector<16xi32>
      %reduce_max3A_39 = arith.xori %select_n3A_34, %reduce_max3A_38 : vector<16xi32>
      %reduce_max3A_40 = tpu.scan <max>, %reduce_max3A_39 masked %reduce_max3A_36 : vector<16xi32>, vector<16xi1> -> vector<16xi32>
      %reduce_max3A_41 = arith.xori %reduce_max3A_40, %reduce_max3A_38 : vector<16xi32>
      %reduce_max3A_42 = vector.extract %reduce_max3A_41[15] : i32 from vector<16xi32>
      %and3A_43 = arith.constant -128 : i32
      %and3A_44 = arith.andi %reduce_max3A_42, %and3A_43 : i32
      %multiple_of3A_45 = tpu.assume_multiple %and3A_44, 128 : i32
      %add3A_46 = arith.constant 0 : i32
      %add3A_47 = arith.addi %mul3A_4, %add3A_46 : i32
      %multiple_of3A_48 = tpu.assume_multiple %add3A_47, 8 : i32
      %dma_start3A_49 = arith.constant 1 : i32
      %dma_start3A_50 = arith.constant 0 : i32
      %dma_start3A_51 = arith.constant 0 : i32
      %dma_start3A_52 = tpu.memref_slice %arg6[%dma_start3A_49, %dma_start3A_50, %dma_start3A_51] : memref<16x8x128xf32, #tpu.memory_space<vmem>> -> memref<1x8x128xf32, #tpu.memory_space<vmem>>
      %dma_start3A_53 = tpu.memref_squeeze %dma_start3A_52 : memref<1x8x128xf32, #tpu.memory_space<vmem>> -> memref<8x128xf32, #tpu.memory_space<vmem>>
      %dma_start3A_54 = tpu.memref_slice %arg2[%multiple_of3A_48, %multiple_of3A_45] : memref<128x32768xf32, #tpu.memory_space<hbm>> -> memref<8x128xf32, #tpu.memory_space<hbm>>
      %dma_start3A_55 = arith.constant 0 : i32
      %dma_start3A_56 = arith.constant 0 : i32
      %dma_start3A_57 = tpu.memref_slice %arg6[%dma_start3A_49, %dma_start3A_55, %dma_start3A_56] : memref<16x8x128xf32, #tpu.memory_space<vmem>> -> memref<1x8x128xf32, #tpu.memory_space<vmem>>
      %dma_start3A_58 = tpu.memref_squeeze %dma_start3A_57 : memref<1x8x128xf32, #tpu.memory_space<vmem>> -> memref<8x128xf32, #tpu.memory_space<vmem>>
      %dma_start3A_59 = tpu.memref_slice %arg2[%multiple_of3A_48, %multiple_of3A_45] : memref<128x32768xf32, #tpu.memory_space<hbm>> -> memref<8x128xf32, #tpu.memory_space<hbm>>
      tpu.enqueue_dma source(%dma_start3A_59 : memref<8x128xf32, #tpu.memory_space<hbm>>) target(%dma_start3A_58 : memref<8x128xf32, #tpu.memory_space<vmem>>) target_semaphore(%arg8 : memref<!tpu.dma_semaphore, #tpu.memory_space<semaphore_mem>>)
      %eq3A_60 = arith.constant 2 : i32
      %eq3A_61 = vector.broadcast %eq3A_60 : i32 to vector<16xi32>
      %eq3A_62 = arith.cmpi eq, %iota3A, %eq3A_61 : vector<16xi32>
      %jit3A_63 = arith.constant 0 : i32
      %broadcast_in_dim3A_64 = vector.broadcast %jit3A_63 : i32 to vector<16xi32>
      %select_n3A_65 = arith.select %eq3A_62, %get3A_5, %broadcast_in_dim3A_64 : vector<16xi1>, vector<16xi32>
      %reduce_max3A_66 = arith.constant true
      %reduce_max3A_67 = vector.broadcast %reduce_max3A_66 : i1 to vector<16xi1>
      %reduce_max3A_68 = arith.constant -2147483648 : i32
      %reduce_max3A_69 = vector.broadcast %reduce_max3A_68 : i32 to vector<16xi32>
      %reduce_max3A_70 = arith.xori %select_n3A_65, %reduce_max3A_69 : vector<16xi32>
      %reduce_max3A_71 = tpu.scan <max>, %reduce_max3A_70 masked %reduce_max3A_67 : vector<16xi32>, vector<16xi1> -> vector<16xi32>
      %reduce_max3A_72 = arith.xori %reduce_max3A_71, %reduce_max3A_69 : vector<16xi32>
      %reduce_max3A_73 = vector.extract %reduce_max3A_72[15] : i32 from vector<16xi32>
      %and3A_74 = arith.constant -128 : i32
      %and3A_75 = arith.andi %reduce_max3A_73, %and3A_74 : i32
      %multiple_of3A_76 = tpu.assume_multiple %and3A_75, 128 : i32
      %add3A_77 = arith.constant 0 : i32
      %add3A_78 = arith.addi %mul3A_4, %add3A_77 : i32
      %multiple_of3A_79 = tpu.assume_multiple %add3A_78, 8 : i32
      %dma_start3A_80 = arith.constant 2 : i32
      %dma_start3A_81 = arith.constant 0 : i32
      %dma_start3A_82 = arith.constant 0 : i32
      %dma_start3A_83 = tpu.memref_slice %arg6[%dma_start3A_80, %dma_start3A_81, %dma_start3A_82] : memref<16x8x128xf32, #tpu.memory_space<vmem>> -> memref<1x8x128xf32, #tpu.memory_space<vmem>>
      %dma_start3A_84 = tpu.memref_squeeze %dma_start3A_83 : memref<1x8x128xf32, #tpu.memory_space<vmem>> -> memref<8x128xf32, #tpu.memory_space<vmem>>
      %dma_start3A_85 = tpu.memref_slice %arg2[%multiple_of3A_79, %multiple_of3A_76] : memref<128x32768xf32, #tpu.memory_space<hbm>> -> memref<8x128xf32, #tpu.memory_space<hbm>>
      %dma_start3A_86 = arith.constant 0 : i32
      %dma_start3A_87 = arith.constant 0 : i32
      %dma_start3A_88 = tpu.memref_slice %arg6[%dma_start3A_80, %dma_start3A_86, %dma_start3A_87] : memref<16x8x128xf32, #tpu.memory_space<vmem>> -> memref<1x8x128xf32, #tpu.memory_space<vmem>>
      %dma_start3A_89 = tpu.memref_squeeze %dma_start3A_88 : memref<1x8x128xf32, #tpu.memory_space<vmem>> -> memref<8x128xf32, #tpu.memory_space<vmem>>
      %dma_start3A_90 = tpu.memref_slice %arg2[%multiple_of3A_79, %multiple_of3A_76] : memref<128x32768xf32, #tpu.memory_space<hbm>> -> memref<8x128xf32, #tpu.memory_space<hbm>>
      tpu.enqueue_dma source(%dma_start3A_90 : memref<8x128xf32, #tpu.memory_space<hbm>>) target(%dma_start3A_89 : memref<8x128xf32, #tpu.memory_space<vmem>>) target_semaphore(%arg8 : memref<!tpu.dma_semaphore, #tpu.memory_space<semaphore_mem>>)
      %eq3A_91 = arith.constant 3 : i32
      %eq3A_92 = vector.broadcast %eq3A_91 : i32 to vector<16xi32>
      %eq3A_93 = arith.cmpi eq, %iota3A, %eq3A_92 : vector<16xi32>
      %jit3A_94 = arith.constant 0 : i32
      %broadcast_in_dim3A_95 = vector.broadcast %jit3A_94 : i32 to vector<16xi32>
      %select_n3A_96 = arith.select %eq3A_93, %get3A_5, %broadcast_in_dim3A_95 : vector<16xi1>, vector<16xi32>
      %reduce_max3A_97 = arith.constant true
      %reduce_max3A_98 = vector.broadcast %reduce_max3A_97 : i1 to vector<16xi1>
      %reduce_max3A_99 = arith.constant -2147483648 : i32
      %reduce_max3A_100 = vector.broadcast %reduce_max3A_99 : i32 to vector<16xi32>
      %reduce_max3A_101 = arith.xori %select_n3A_96, %reduce_max3A_100 : vector<16xi32>
      %reduce_max3A_102 = tpu.scan <max>, %reduce_max3A_101 masked %reduce_max3A_98 : vector<16xi32>, vector<16xi1> -> vector<16xi32>
      %reduce_max3A_103 = arith.xori %reduce_max3A_102, %reduce_max3A_100 : vector<16xi32>
      %reduce_max3A_104 = vector.extract %reduce_max3A_103[15] : i32 from vector<16xi32>
      %and3A_105 = arith.constant -128 : i32
      %and3A_106 = arith.andi %reduce_max3A_104, %and3A_105 : i32
      %multiple_of3A_107 = tpu.assume_multiple %and3A_106, 128 : i32
      %add3A_108 = arith.constant 0 : i32
      %add3A_109 = arith.addi %mul3A_4, %add3A_108 : i32
      %multiple_of3A_110 = tpu.assume_multiple %add3A_109, 8 : i32
      %dma_start3A_111 = arith.constant 3 : i32
      %dma_start3A_112 = arith.constant 0 : i32
      %dma_start3A_113 = arith.constant 0 : i32
      %dma_start3A_114 = tpu.memref_slice %arg6[%dma_start3A_111, %dma_start3A_112, %dma_start3A_113] : memref<16x8x128xf32, #tpu.memory_space<vmem>> -> memref<1x8x128xf32, #tpu.memory_space<vmem>>
      %dma_start3A_115 = tpu.memref_squeeze %dma_start3A_114 : memref<1x8x128xf32, #tpu.memory_space<vmem>> -> memref<8x128xf32, #tpu.memory_space<vmem>>
      %dma_start3A_116 = tpu.memref_slice %arg2[%multiple_of3A_110, %multiple_of3A_107] : memref<128x32768xf32, #tpu.memory_space<hbm>> -> memref<8x128xf32, #tpu.memory_space<hbm>>
      %dma_start3A_117 = arith.constant 0 : i32
      %dma_start3A_118 = arith.constant 0 : i32
      %dma_start3A_119 = tpu.memref_slice %arg6[%dma_start3A_111, %dma_start3A_117, %dma_start3A_118] : memref<16x8x128xf32, #tpu.memory_space<vmem>> -> memref<1x8x128xf32, #tpu.memory_space<vmem>>
      %dma_start3A_120 = tpu.memref_squeeze %dma_start3A_119 : memref<1x8x128xf32, #tpu.memory_space<vmem>> -> memref<8x128xf32, #tpu.memory_space<vmem>>
      %dma_start3A_121 = tpu.memref_slice %arg2[%multiple_of3A_110, %multiple_of3A_107] : memref<128x32768xf32, #tpu.memory_space<hbm>> -> memref<8x128xf32, #tpu.memory_space<hbm>>
      tpu.enqueue_dma source(%dma_start3A_121 : memref<8x128xf32, #tpu.memory_space<hbm>>) target(%dma_start3A_120 : memref<8x128xf32, #tpu.memory_space<vmem>>) target_semaphore(%arg8 : memref<!tpu.dma_semaphore, #tpu.memory_space<semaphore_mem>>)
      %eq3A_122 = arith.constant 4 : i32
      %eq3A_123 = vector.broadcast %eq3A_122 : i32 to vector<16xi32>
      %eq3A_124 = arith.cmpi eq, %iota3A, %eq3A_123 : vector<16xi32>
      %jit3A_125 = arith.constant 0 : i32
      %broadcast_in_dim3A_126 = vector.broadcast %jit3A_125 : i32 to vector<16xi32>
      %select_n3A_127 = arith.select %eq3A_124, %get3A_5, %broadcast_in_dim3A_126 : vector<16xi1>, vector<16xi32>
      %reduce_max3A_128 = arith.constant true
      %reduce_max3A_129 = vector.broadcast %reduce_max3A_128 : i1 to vector<16xi1>
      %reduce_max3A_130 = arith.constant -2147483648 : i32
      %reduce_max3A_131 = vector.broadcast %reduce_max3A_130 : i32 to vector<16xi32>
      %reduce_max3A_132 = arith.xori %select_n3A_127, %reduce_max3A_131 : vector<16xi32>
      %reduce_max3A_133 = tpu.scan <max>, %reduce_max3A_132 masked %reduce_max3A_129 : vector<16xi32>, vector<16xi1> -> vector<16xi32>
      %reduce_max3A_134 = arith.xori %reduce_max3A_133, %reduce_max3A_131 : vector<16xi32>
      %reduce_max3A_135 = vector.extract %reduce_max3A_134[15] : i32 from vector<16xi32>
      %and3A_136 = arith.constant -128 : i32
      %and3A_137 = arith.andi %reduce_max3A_135, %and3A_136 : i32
      %multiple_of3A_138 = tpu.assume_multiple %and3A_137, 128 : i32
      %add3A_139 = arith.constant 0 : i32
      %add3A_140 = arith.addi %mul3A_4, %add3A_139 : i32
      %multiple_of3A_141 = tpu.assume_multiple %add3A_140, 8 : i32
      %dma_start3A_142 = arith.constant 4 : i32
      %dma_start3A_143 = arith.constant 0 : i32
      %dma_start3A_144 = arith.constant 0 : i32
      %dma_start3A_145 = tpu.memref_slice %arg6[%dma_start3A_142, %dma_start3A_143, %dma_start3A_144] : memref<16x8x128xf32, #tpu.memory_space<vmem>> -> memref<1x8x128xf32, #tpu.memory_space<vmem>>
      %dma_start3A_146 = tpu.memref_squeeze %dma_start3A_145 : memref<1x8x128xf32, #tpu.memory_space<vmem>> -> memref<8x128xf32, #tpu.memory_space<vmem>>
      %dma_start3A_147 = tpu.memref_slice %arg2[%multiple_of3A_141, %multiple_of3A_138] : memref<128x32768xf32, #tpu.memory_space<hbm>> -> memref<8x128xf32, #tpu.memory_space<hbm>>
      %dma_start3A_148 = arith.constant 0 : i32
      %dma_start3A_149 = arith.constant 0 : i32
      %dma_start3A_150 = tpu.memref_slice %arg6[%dma_start3A_142, %dma_start3A_148, %dma_start3A_149] : memref<16x8x128xf32, #tpu.memory_space<vmem>> -> memref<1x8x128xf32, #tpu.memory_space<vmem>>
      %dma_start3A_151 = tpu.memref_squeeze %dma_start3A_150 : memref<1x8x128xf32, #tpu.memory_space<vmem>> -> memref<8x128xf32, #tpu.memory_space<vmem>>
      %dma_start3A_152 = tpu.memref_slice %arg2[%multiple_of3A_141, %multiple_of3A_138] : memref<128x32768xf32, #tpu.memory_space<hbm>> -> memref<8x128xf32, #tpu.memory_space<hbm>>
      tpu.enqueue_dma source(%dma_start3A_152 : memref<8x128xf32, #tpu.memory_space<hbm>>) target(%dma_start3A_151 : memref<8x128xf32, #tpu.memory_space<vmem>>) target_semaphore(%arg8 : memref<!tpu.dma_semaphore, #tpu.memory_space<semaphore_mem>>)
      %eq3A_153 = arith.constant 5 : i32
      %eq3A_154 = vector.broadcast %eq3A_153 : i32 to vector<16xi32>
      %eq3A_155 = arith.cmpi eq, %iota3A, %eq3A_154 : vector<16xi32>
      %jit3A_156 = arith.constant 0 : i32
      %broadcast_in_dim3A_157 = vector.broadcast %jit3A_156 : i32 to vector<16xi32>
      %select_n3A_158 = arith.select %eq3A_155, %get3A_5, %broadcast_in_dim3A_157 : vector<16xi1>, vector<16xi32>
      %reduce_max3A_159 = arith.constant true
      %reduce_max3A_160 = vector.broadcast %reduce_max3A_159 : i1 to vector<16xi1>
      %reduce_max3A_161 = arith.constant -2147483648 : i32
      %reduce_max3A_162 = vector.broadcast %reduce_max3A_161 : i32 to vector<16xi32>
      %reduce_max3A_163 = arith.xori %select_n3A_158, %reduce_max3A_162 : vector<16xi32>
      %reduce_max3A_164 = tpu.scan <max>, %reduce_max3A_163 masked %reduce_max3A_160 : vector<16xi32>, vector<16xi1> -> vector<16xi32>
      %reduce_max3A_165 = arith.xori %reduce_max3A_164, %reduce_max3A_162 : vector<16xi32>
      %reduce_max3A_166 = vector.extract %reduce_max3A_165[15] : i32 from vector<16xi32>
      %and3A_167 = arith.constant -128 : i32
      %and3A_168 = arith.andi %reduce_max3A_166, %and3A_167 : i32
      %multiple_of3A_169 = tpu.assume_multiple %and3A_168, 128 : i32
      %add3A_170 = arith.constant 0 : i32
      %add3A_171 = arith.addi %mul3A_4, %add3A_170 : i32
      %multiple_of3A_172 = tpu.assume_multiple %add3A_171, 8 : i32
      %dma_start3A_173 = arith.constant 5 : i32
      %dma_start3A_174 = arith.constant 0 : i32
      %dma_start3A_175 = arith.constant 0 : i32
      %dma_start3A_176 = tpu.memref_slice %arg6[%dma_start3A_173, %dma_start3A_174, %dma_start3A_175] : memref<16x8x128xf32, #tpu.memory_space<vmem>> -> memref<1x8x128xf32, #tpu.memory_space<vmem>>
      %dma_start3A_177 = tpu.memref_squeeze %dma_start3A_176 : memref<1x8x128xf32, #tpu.memory_space<vmem>> -> memref<8x128xf32, #tpu.memory_space<vmem>>
      %dma_start3A_178 = tpu.memref_slice %arg2[%multiple_of3A_172, %multiple_of3A_169] : memref<128x32768xf32, #tpu.memory_space<hbm>> -> memref<8x128xf32, #tpu.memory_space<hbm>>
      %dma_start3A_179 = arith.constant 0 : i32
      %dma_start3A_180 = arith.constant 0 : i32
      %dma_start3A_181 = tpu.memref_slice %arg6[%dma_start3A_173, %dma_start3A_179, %dma_start3A_180] : memref<16x8x128xf32, #tpu.memory_space<vmem>> -> memref<1x8x128xf32, #tpu.memory_space<vmem>>
      %dma_start3A_182 = tpu.memref_squeeze %dma_start3A_181 : memref<1x8x128xf32, #tpu.memory_space<vmem>> -> memref<8x128xf32, #tpu.memory_space<vmem>>
      %dma_start3A_183 = tpu.memref_slice %arg2[%multiple_of3A_172, %multiple_of3A_169] : memref<128x32768xf32, #tpu.memory_space<hbm>> -> memref<8x128xf32, #tpu.memory_space<hbm>>
      tpu.enqueue_dma source(%dma_start3A_183 : memref<8x128xf32, #tpu.memory_space<hbm>>) target(%dma_start3A_182 : memref<8x128xf32, #tpu.memory_space<vmem>>) target_semaphore(%arg8 : memref<!tpu.dma_semaphore, #tpu.memory_space<semaphore_mem>>)
      %eq3A_184 = arith.constant 6 : i32
      %eq3A_185 = vector.broadcast %eq3A_184 : i32 to vector<16xi32>
      %eq3A_186 = arith.cmpi eq, %iota3A, %eq3A_185 : vector<16xi32>
      %jit3A_187 = arith.constant 0 : i32
      %broadcast_in_dim3A_188 = vector.broadcast %jit3A_187 : i32 to vector<16xi32>
      %select_n3A_189 = arith.select %eq3A_186, %get3A_5, %broadcast_in_dim3A_188 : vector<16xi1>, vector<16xi32>
      %reduce_max3A_190 = arith.constant true
      %reduce_max3A_191 = vector.broadcast %reduce_max3A_190 : i1 to vector<16xi1>
      %reduce_max3A_192 = arith.constant -2147483648 : i32
      %reduce_max3A_193 = vector.broadcast %reduce_max3A_192 : i32 to vector<16xi32>
      %reduce_max3A_194 = arith.xori %select_n3A_189, %reduce_max3A_193 : vector<16xi32>
      %reduce_max3A_195 = tpu.scan <max>, %reduce_max3A_194 masked %reduce_max3A_191 : vector<16xi32>, vector<16xi1> -> vector<16xi32>
      %reduce_max3A_196 = arith.xori %reduce_max3A_195, %reduce_max3A_193 : vector<16xi32>
      %reduce_max3A_197 = vector.extract %reduce_max3A_196[15] : i32 from vector<16xi32>
      %and3A_198 = arith.constant -128 : i32
      %and3A_199 = arith.andi %reduce_max3A_197, %and3A_198 : i32
      %multiple_of3A_200 = tpu.assume_multiple %and3A_199, 128 : i32
      %add3A_201 = arith.constant 0 : i32
      %add3A_202 = arith.addi %mul3A_4, %add3A_201 : i32
      %multiple_of3A_203 = tpu.assume_multiple %add3A_202, 8 : i32
      %dma_start3A_204 = arith.constant 6 : i32
      %dma_start3A_205 = arith.constant 0 : i32
      %dma_start3A_206 = arith.constant 0 : i32
      %dma_start3A_207 = tpu.memref_slice %arg6[%dma_start3A_204, %dma_start3A_205, %dma_start3A_206] : memref<16x8x128xf32, #tpu.memory_space<vmem>> -> memref<1x8x128xf32, #tpu.memory_space<vmem>>
      %dma_start3A_208 = tpu.memref_squeeze %dma_start3A_207 : memref<1x8x128xf32, #tpu.memory_space<vmem>> -> memref<8x128xf32, #tpu.memory_space<vmem>>
      %dma_start3A_209 = tpu.memref_slice %arg2[%multiple_of3A_203, %multiple_of3A_200] : memref<128x32768xf32, #tpu.memory_space<hbm>> -> memref<8x128xf32, #tpu.memory_space<hbm>>
      %dma_start3A_210 = arith.constant 0 : i32
      %dma_start3A_211 = arith.constant 0 : i32
      %dma_start3A_212 = tpu.memref_slice %arg6[%dma_start3A_204, %dma_start3A_210, %dma_start3A_211] : memref<16x8x128xf32, #tpu.memory_space<vmem>> -> memref<1x8x128xf32, #tpu.memory_space<vmem>>
      %dma_start3A_213 = tpu.memref_squeeze %dma_start3A_212 : memref<1x8x128xf32, #tpu.memory_space<vmem>> -> memref<8x128xf32, #tpu.memory_space<vmem>>
      %dma_start3A_214 = tpu.memref_slice %arg2[%multiple_of3A_203, %multiple_of3A_200] : memref<128x32768xf32, #tpu.memory_space<hbm>> -> memref<8x128xf32, #tpu.memory_space<hbm>>
      tpu.enqueue_dma source(%dma_start3A_214 : memref<8x128xf32, #tpu.memory_space<hbm>>) target(%dma_start3A_213 : memref<8x128xf32, #tpu.memory_space<vmem>>) target_semaphore(%arg8 : memref<!tpu.dma_semaphore, #tpu.memory_space<semaphore_mem>>)
      %eq3A_215 = arith.constant 7 : i32
      %eq3A_216 = vector.broadcast %eq3A_215 : i32 to vector<16xi32>
      %eq3A_217 = arith.cmpi eq, %iota3A, %eq3A_216 : vector<16xi32>
      %jit3A_218 = arith.constant 0 : i32
      %broadcast_in_dim3A_219 = vector.broadcast %jit3A_218 : i32 to vector<16xi32>
      %select_n3A_220 = arith.select %eq3A_217, %get3A_5, %broadcast_in_dim3A_219 : vector<16xi1>, vector<16xi32>
      %reduce_max3A_221 = arith.constant true
      %reduce_max3A_222 = vector.broadcast %reduce_max3A_221 : i1 to vector<16xi1>
      %reduce_max3A_223 = arith.constant -2147483648 : i32
      %reduce_max3A_224 = vector.broadcast %reduce_max3A_223 : i32 to vector<16xi32>
      %reduce_max3A_225 = arith.xori %select_n3A_220, %reduce_max3A_224 : vector<16xi32>
      %reduce_max3A_226 = tpu.scan <max>, %reduce_max3A_225 masked %reduce_max3A_222 : vector<16xi32>, vector<16xi1> -> vector<16xi32>
      %reduce_max3A_227 = arith.xori %reduce_max3A_226, %reduce_max3A_224 : vector<16xi32>
      %reduce_max3A_228 = vector.extract %reduce_max3A_227[15] : i32 from vector<16xi32>
      %and3A_229 = arith.constant -128 : i32
      %and3A_230 = arith.andi %reduce_max3A_228, %and3A_229 : i32
      %multiple_of3A_231 = tpu.assume_multiple %and3A_230, 128 : i32
      %add3A_232 = arith.constant 0 : i32
      %add3A_233 = arith.addi %mul3A_4, %add3A_232 : i32
      %multiple_of3A_234 = tpu.assume_multiple %add3A_233, 8 : i32
      %dma_start3A_235 = arith.constant 7 : i32
      %dma_start3A_236 = arith.constant 0 : i32
      %dma_start3A_237 = arith.constant 0 : i32
      %dma_start3A_238 = tpu.memref_slice %arg6[%dma_start3A_235, %dma_start3A_236, %dma_start3A_237] : memref<16x8x128xf32, #tpu.memory_space<vmem>> -> memref<1x8x128xf32, #tpu.memory_space<vmem>>
      %dma_start3A_239 = tpu.memref_squeeze %dma_start3A_238 : memref<1x8x128xf32, #tpu.memory_space<vmem>> -> memref<8x128xf32, #tpu.memory_space<vmem>>
      %dma_start3A_240 = tpu.memref_slice %arg2[%multiple_of3A_234, %multiple_of3A_231] : memref<128x32768xf32, #tpu.memory_space<hbm>> -> memref<8x128xf32, #tpu.memory_space<hbm>>
      %dma_start3A_241 = arith.constant 0 : i32
      %dma_start3A_242 = arith.constant 0 : i32
      %dma_start3A_243 = tpu.memref_slice %arg6[%dma_start3A_235, %dma_start3A_241, %dma_start3A_242] : memref<16x8x128xf32, #tpu.memory_space<vmem>> -> memref<1x8x128xf32, #tpu.memory_space<vmem>>
      %dma_start3A_244 = tpu.memref_squeeze %dma_start3A_243 : memref<1x8x128xf32, #tpu.memory_space<vmem>> -> memref<8x128xf32, #tpu.memory_space<vmem>>
      %dma_start3A_245 = tpu.memref_slice %arg2[%multiple_of3A_234, %multiple_of3A_231] : memref<128x32768xf32, #tpu.memory_space<hbm>> -> memref<8x128xf32, #tpu.memory_space<hbm>>
      tpu.enqueue_dma source(%dma_start3A_245 : memref<8x128xf32, #tpu.memory_space<hbm>>) target(%dma_start3A_244 : memref<8x128xf32, #tpu.memory_space<vmem>>) target_semaphore(%arg8 : memref<!tpu.dma_semaphore, #tpu.memory_space<semaphore_mem>>)
      %eq3A_246 = arith.constant 8 : i32
      %eq3A_247 = vector.broadcast %eq3A_246 : i32 to vector<16xi32>
      %eq3A_248 = arith.cmpi eq, %iota3A, %eq3A_247 : vector<16xi32>
      %jit3A_249 = arith.constant 0 : i32
      %broadcast_in_dim3A_250 = vector.broadcast %jit3A_249 : i32 to vector<16xi32>
      %select_n3A_251 = arith.select %eq3A_248, %get3A_5, %broadcast_in_dim3A_250 : vector<16xi1>, vector<16xi32>
      %reduce_max3A_252 = arith.constant true
      %reduce_max3A_253 = vector.broadcast %reduce_max3A_252 : i1 to vector<16xi1>
      %reduce_max3A_254 = arith.constant -2147483648 : i32
      %reduce_max3A_255 = vector.broadcast %reduce_max3A_254 : i32 to vector<16xi32>
      %reduce_max3A_256 = arith.xori %select_n3A_251, %reduce_max3A_255 : vector<16xi32>
      %reduce_max3A_257 = tpu.scan <max>, %reduce_max3A_256 masked %reduce_max3A_253 : vector<16xi32>, vector<16xi1> -> vector<16xi32>
      %reduce_max3A_258 = arith.xori %reduce_max3A_257, %reduce_max3A_255 : vector<16xi32>
      %reduce_max3A_259 = vector.extract %reduce_max3A_258[15] : i32 from vector<16xi32>
      %and3A_260 = arith.constant -128 : i32
      %and3A_261 = arith.andi %reduce_max3A_259, %and3A_260 : i32
      %multiple_of3A_262 = tpu.assume_multiple %and3A_261, 128 : i32
      %add3A_263 = arith.constant 8 : i32
      %add3A_264 = arith.addi %mul3A_4, %add3A_263 : i32
      %multiple_of3A_265 = tpu.assume_multiple %add3A_264, 8 : i32
      %dma_start3A_266 = arith.constant 8 : i32
      %dma_start3A_267 = arith.constant 0 : i32
      %dma_start3A_268 = arith.constant 0 : i32
      %dma_start3A_269 = tpu.memref_slice %arg6[%dma_start3A_266, %dma_start3A_267, %dma_start3A_268] : memref<16x8x128xf32, #tpu.memory_space<vmem>> -> memref<1x8x128xf32, #tpu.memory_space<vmem>>
      %dma_start3A_270 = tpu.memref_squeeze %dma_start3A_269 : memref<1x8x128xf32, #tpu.memory_space<vmem>> -> memref<8x128xf32, #tpu.memory_space<vmem>>
      %dma_start3A_271 = tpu.memref_slice %arg2[%multiple_of3A_265, %multiple_of3A_262] : memref<128x32768xf32, #tpu.memory_space<hbm>> -> memref<8x128xf32, #tpu.memory_space<hbm>>
      %dma_start3A_272 = arith.constant 0 : i32
      %dma_start3A_273 = arith.constant 0 : i32
      %dma_start3A_274 = tpu.memref_slice %arg6[%dma_start3A_266, %dma_start3A_272, %dma_start3A_273] : memref<16x8x128xf32, #tpu.memory_space<vmem>> -> memref<1x8x128xf32, #tpu.memory_space<vmem>>
      %dma_start3A_275 = tpu.memref_squeeze %dma_start3A_274 : memref<1x8x128xf32, #tpu.memory_space<vmem>> -> memref<8x128xf32, #tpu.memory_space<vmem>>
      %dma_start3A_276 = tpu.memref_slice %arg2[%multiple_of3A_265, %multiple_of3A_262] : memref<128x32768xf32, #tpu.memory_space<hbm>> -> memref<8x128xf32, #tpu.memory_space<hbm>>
      tpu.enqueue_dma source(%dma_start3A_276 : memref<8x128xf32, #tpu.memory_space<hbm>>) target(%dma_start3A_275 : memref<8x128xf32, #tpu.memory_space<vmem>>) target_semaphore(%arg8 : memref<!tpu.dma_semaphore, #tpu.memory_space<semaphore_mem>>)
      %eq3A_277 = arith.constant 9 : i32
      %eq3A_278 = vector.broadcast %eq3A_277 : i32 to vector<16xi32>
      %eq3A_279 = arith.cmpi eq, %iota3A, %eq3A_278 : vector<16xi32>
      %jit3A_280 = arith.constant 0 : i32
      %broadcast_in_dim3A_281 = vector.broadcast %jit3A_280 : i32 to vector<16xi32>
      %select_n3A_282 = arith.select %eq3A_279, %get3A_5, %broadcast_in_dim3A_281 : vector<16xi1>, vector<16xi32>
      %reduce_max3A_283 = arith.constant true
      %reduce_max3A_284 = vector.broadcast %reduce_max3A_283 : i1 to vector<16xi1>
      %reduce_max3A_285 = arith.constant -2147483648 : i32
      %reduce_max3A_286 = vector.broadcast %reduce_max3A_285 : i32 to vector<16xi32>
      %reduce_max3A_287 = arith.xori %select_n3A_282, %reduce_max3A_286 : vector<16xi32>
      %reduce_max3A_288 = tpu.scan <max>, %reduce_max3A_287 masked %reduce_max3A_284 : vector<16xi32>, vector<16xi1> -> vector<16xi32>
      %reduce_max3A_289 = arith.xori %reduce_max3A_288, %reduce_max3A_286 : vector<16xi32>
      %reduce_max3A_290 = vector.extract %reduce_max3A_289[15] : i32 from vector<16xi32>
      %and3A_291 = arith.constant -128 : i32
      %and3A_292 = arith.andi %reduce_max3A_290, %and3A_291 : i32
      %multiple_of3A_293 = tpu.assume_multiple %and3A_292, 128 : i32
      %add3A_294 = arith.constant 8 : i32
      %add3A_295 = arith.addi %mul3A_4, %add3A_294 : i32
      %multiple_of3A_296 = tpu.assume_multiple %add3A_295, 8 : i32
      %dma_start3A_297 = arith.constant 9 : i32
      %dma_start3A_298 = arith.constant 0 : i32
      %dma_start3A_299 = arith.constant 0 : i32
      %dma_start3A_300 = tpu.memref_slice %arg6[%dma_start3A_297, %dma_start3A_298, %dma_start3A_299] : memref<16x8x128xf32, #tpu.memory_space<vmem>> -> memref<1x8x128xf32, #tpu.memory_space<vmem>>
      %dma_start3A_301 = tpu.memref_squeeze %dma_start3A_300 : memref<1x8x128xf32, #tpu.memory_space<vmem>> -> memref<8x128xf32, #tpu.memory_space<vmem>>
      %dma_start3A_302 = tpu.memref_slice %arg2[%multiple_of3A_296, %multiple_of3A_293] : memref<128x32768xf32, #tpu.memory_space<hbm>> -> memref<8x128xf32, #tpu.memory_space<hbm>>
      %dma_start3A_303 = arith.constant 0 : i32
      %dma_start3A_304 = arith.constant 0 : i32
      %dma_start3A_305 = tpu.memref_slice %arg6[%dma_start3A_297, %dma_start3A_303, %dma_start3A_304] : memref<16x8x128xf32, #tpu.memory_space<vmem>> -> memref<1x8x128xf32, #tpu.memory_space<vmem>>
      %dma_start3A_306 = tpu.memref_squeeze %dma_start3A_305 : memref<1x8x128xf32, #tpu.memory_space<vmem>> -> memref<8x128xf32, #tpu.memory_space<vmem>>
      %dma_start3A_307 = tpu.memref_slice %arg2[%multiple_of3A_296, %multiple_of3A_293] : memref<128x32768xf32, #tpu.memory_space<hbm>> -> memref<8x128xf32, #tpu.memory_space<hbm>>
      tpu.enqueue_dma source(%dma_start3A_307 : memref<8x128xf32, #tpu.memory_space<hbm>>) target(%dma_start3A_306 : memref<8x128xf32, #tpu.memory_space<vmem>>) target_semaphore(%arg8 : memref<!tpu.dma_semaphore, #tpu.memory_space<semaphore_mem>>)
      %eq3A_308 = arith.constant 10 : i32
      %eq3A_309 = vector.broadcast %eq3A_308 : i32 to vector<16xi32>
      %eq3A_310 = arith.cmpi eq, %iota3A, %eq3A_309 : vector<16xi32>
      %jit3A_311 = arith.constant 0 : i32
      %broadcast_in_dim3A_312 = vector.broadcast %jit3A_311 : i32 to vector<16xi32>
      %select_n3A_313 = arith.select %eq3A_310, %get3A_5, %broadcast_in_dim3A_312 : vector<16xi1>, vector<16xi32>
      %reduce_max3A_314 = arith.constant true
      %reduce_max3A_315 = vector.broadcast %reduce_max3A_314 : i1 to vector<16xi1>
      %reduce_max3A_316 = arith.constant -2147483648 : i32
      %reduce_max3A_317 = vector.broadcast %reduce_max3A_316 : i32 to vector<16xi32>
      %reduce_max3A_318 = arith.xori %select_n3A_313, %reduce_max3A_317 : vector<16xi32>
      %reduce_max3A_319 = tpu.scan <max>, %reduce_max3A_318 masked %reduce_max3A_315 : vector<16xi32>, vector<16xi1> -> vector<16xi32>
      %reduce_max3A_320 = arith.xori %reduce_max3A_319, %reduce_max3A_317 : vector<16xi32>
      %reduce_max3A_321 = vector.extract %reduce_max3A_320[15] : i32 from vector<16xi32>
      %and3A_322 = arith.constant -128 : i32
      %and3A_323 = arith.andi %reduce_max3A_321, %and3A_322 : i32
      %multiple_of3A_324 = tpu.assume_multiple %and3A_323, 128 : i32
      %add3A_325 = arith.constant 8 : i32
      %add3A_326 = arith.addi %mul3A_4, %add3A_325 : i32
      %multiple_of3A_327 = tpu.assume_multiple %add3A_326, 8 : i32
      %dma_start3A_328 = arith.constant 10 : i32
      %dma_start3A_329 = arith.constant 0 : i32
      %dma_start3A_330 = arith.constant 0 : i32
      %dma_start3A_331 = tpu.memref_slice %arg6[%dma_start3A_328, %dma_start3A_329, %dma_start3A_330] : memref<16x8x128xf32, #tpu.memory_space<vmem>> -> memref<1x8x128xf32, #tpu.memory_space<vmem>>
      %dma_start3A_332 = tpu.memref_squeeze %dma_start3A_331 : memref<1x8x128xf32, #tpu.memory_space<vmem>> -> memref<8x128xf32, #tpu.memory_space<vmem>>
      %dma_start3A_333 = tpu.memref_slice %arg2[%multiple_of3A_327, %multiple_of3A_324] : memref<128x32768xf32, #tpu.memory_space<hbm>> -> memref<8x128xf32, #tpu.memory_space<hbm>>
      %dma_start3A_334 = arith.constant 0 : i32
      %dma_start3A_335 = arith.constant 0 : i32
      %dma_start3A_336 = tpu.memref_slice %arg6[%dma_start3A_328, %dma_start3A_334, %dma_start3A_335] : memref<16x8x128xf32, #tpu.memory_space<vmem>> -> memref<1x8x128xf32, #tpu.memory_space<vmem>>
      %dma_start3A_337 = tpu.memref_squeeze %dma_start3A_336 : memref<1x8x128xf32, #tpu.memory_space<vmem>> -> memref<8x128xf32, #tpu.memory_space<vmem>>
      %dma_start3A_338 = tpu.memref_slice %arg2[%multiple_of3A_327, %multiple_of3A_324] : memref<128x32768xf32, #tpu.memory_space<hbm>> -> memref<8x128xf32, #tpu.memory_space<hbm>>
      tpu.enqueue_dma source(%dma_start3A_338 : memref<8x128xf32, #tpu.memory_space<hbm>>) target(%dma_start3A_337 : memref<8x128xf32, #tpu.memory_space<vmem>>) target_semaphore(%arg8 : memref<!tpu.dma_semaphore, #tpu.memory_space<semaphore_mem>>)
      %eq3A_339 = arith.constant 11 : i32
      %eq3A_340 = vector.broadcast %eq3A_339 : i32 to vector<16xi32>
      %eq3A_341 = arith.cmpi eq, %iota3A, %eq3A_340 : vector<16xi32>
      %jit3A_342 = arith.constant 0 : i32
      %broadcast_in_dim3A_343 = vector.broadcast %jit3A_342 : i32 to vector<16xi32>
      %select_n3A_344 = arith.select %eq3A_341, %get3A_5, %broadcast_in_dim3A_343 : vector<16xi1>, vector<16xi32>
      %reduce_max3A_345 = arith.constant true
      %reduce_max3A_346 = vector.broadcast %reduce_max3A_345 : i1 to vector<16xi1>
      %reduce_max3A_347 = arith.constant -2147483648 : i32
      %reduce_max3A_348 = vector.broadcast %reduce_max3A_347 : i32 to vector<16xi32>
      %reduce_max3A_349 = arith.xori %select_n3A_344, %reduce_max3A_348 : vector<16xi32>
      %reduce_max3A_350 = tpu.scan <max>, %reduce_max3A_349 masked %reduce_max3A_346 : vector<16xi32>, vector<16xi1> -> vector<16xi32>
      %reduce_max3A_351 = arith.xori %reduce_max3A_350, %reduce_max3A_348 : vector<16xi32>
      %reduce_max3A_352 = vector.extract %reduce_max3A_351[15] : i32 from vector<16xi32>
      %and3A_353 = arith.constant -128 : i32
      %and3A_354 = arith.andi %reduce_max3A_352, %and3A_353 : i32
      %multiple_of3A_355 = tpu.assume_multiple %and3A_354, 128 : i32
      %add3A_356 = arith.constant 8 : i32
      %add3A_357 = arith.addi %mul3A_4, %add3A_356 : i32
      %multiple_of3A_358 = tpu.assume_multiple %add3A_357, 8 : i32
      %dma_start3A_359 = arith.constant 11 : i32
      %dma_start3A_360 = arith.constant 0 : i32
      %dma_start3A_361 = arith.constant 0 : i32
      %dma_start3A_362 = tpu.memref_slice %arg6[%dma_start3A_359, %dma_start3A_360, %dma_start3A_361] : memref<16x8x128xf32, #tpu.memory_space<vmem>> -> memref<1x8x128xf32, #tpu.memory_space<vmem>>
      %dma_start3A_363 = tpu.memref_squeeze %dma_start3A_362 : memref<1x8x128xf32, #tpu.memory_space<vmem>> -> memref<8x128xf32, #tpu.memory_space<vmem>>
      %dma_start3A_364 = tpu.memref_slice %arg2[%multiple_of3A_358, %multiple_of3A_355] : memref<128x32768xf32, #tpu.memory_space<hbm>> -> memref<8x128xf32, #tpu.memory_space<hbm>>
      %dma_start3A_365 = arith.constant 0 : i32
      %dma_start3A_366 = arith.constant 0 : i32
      %dma_start3A_367 = tpu.memref_slice %arg6[%dma_start3A_359, %dma_start3A_365, %dma_start3A_366] : memref<16x8x128xf32, #tpu.memory_space<vmem>> -> memref<1x8x128xf32, #tpu.memory_space<vmem>>
      %dma_start3A_368 = tpu.memref_squeeze %dma_start3A_367 : memref<1x8x128xf32, #tpu.memory_space<vmem>> -> memref<8x128xf32, #tpu.memory_space<vmem>>
      %dma_start3A_369 = tpu.memref_slice %arg2[%multiple_of3A_358, %multiple_of3A_355] : memref<128x32768xf32, #tpu.memory_space<hbm>> -> memref<8x128xf32, #tpu.memory_space<hbm>>
      tpu.enqueue_dma source(%dma_start3A_369 : memref<8x128xf32, #tpu.memory_space<hbm>>) target(%dma_start3A_368 : memref<8x128xf32, #tpu.memory_space<vmem>>) target_semaphore(%arg8 : memref<!tpu.dma_semaphore, #tpu.memory_space<semaphore_mem>>)
      %eq3A_370 = arith.constant 12 : i32
      %eq3A_371 = vector.broadcast %eq3A_370 : i32 to vector<16xi32>
      %eq3A_372 = arith.cmpi eq, %iota3A, %eq3A_371 : vector<16xi32>
      %jit3A_373 = arith.constant 0 : i32
      %broadcast_in_dim3A_374 = vector.broadcast %jit3A_373 : i32 to vector<16xi32>
      %select_n3A_375 = arith.select %eq3A_372, %get3A_5, %broadcast_in_dim3A_374 : vector<16xi1>, vector<16xi32>
      %reduce_max3A_376 = arith.constant true
      %reduce_max3A_377 = vector.broadcast %reduce_max3A_376 : i1 to vector<16xi1>
      %reduce_max3A_378 = arith.constant -2147483648 : i32
      %reduce_max3A_379 = vector.broadcast %reduce_max3A_378 : i32 to vector<16xi32>
      %reduce_max3A_380 = arith.xori %select_n3A_375, %reduce_max3A_379 : vector<16xi32>
      %reduce_max3A_381 = tpu.scan <max>, %reduce_max3A_380 masked %reduce_max3A_377 : vector<16xi32>, vector<16xi1> -> vector<16xi32>
      %reduce_max3A_382 = arith.xori %reduce_max3A_381, %reduce_max3A_379 : vector<16xi32>
      %reduce_max3A_383 = vector.extract %reduce_max3A_382[15] : i32 from vector<16xi32>
      %and3A_384 = arith.constant -128 : i32
      %and3A_385 = arith.andi %reduce_max3A_383, %and3A_384 : i32
      %multiple_of3A_386 = tpu.assume_multiple %and3A_385, 128 : i32
      %add3A_387 = arith.constant 8 : i32
      %add3A_388 = arith.addi %mul3A_4, %add3A_387 : i32
      %multiple_of3A_389 = tpu.assume_multiple %add3A_388, 8 : i32
      %dma_start3A_390 = arith.constant 12 : i32
      %dma_start3A_391 = arith.constant 0 : i32
      %dma_start3A_392 = arith.constant 0 : i32
      %dma_start3A_393 = tpu.memref_slice %arg6[%dma_start3A_390, %dma_start3A_391, %dma_start3A_392] : memref<16x8x128xf32, #tpu.memory_space<vmem>> -> memref<1x8x128xf32, #tpu.memory_space<vmem>>
      %dma_start3A_394 = tpu.memref_squeeze %dma_start3A_393 : memref<1x8x128xf32, #tpu.memory_space<vmem>> -> memref<8x128xf32, #tpu.memory_space<vmem>>
      %dma_start3A_395 = tpu.memref_slice %arg2[%multiple_of3A_389, %multiple_of3A_386] : memref<128x32768xf32, #tpu.memory_space<hbm>> -> memref<8x128xf32, #tpu.memory_space<hbm>>
      %dma_start3A_396 = arith.constant 0 : i32
      %dma_start3A_397 = arith.constant 0 : i32
      %dma_start3A_398 = tpu.memref_slice %arg6[%dma_start3A_390, %dma_start3A_396, %dma_start3A_397] : memref<16x8x128xf32, #tpu.memory_space<vmem>> -> memref<1x8x128xf32, #tpu.memory_space<vmem>>
      %dma_start3A_399 = tpu.memref_squeeze %dma_start3A_398 : memref<1x8x128xf32, #tpu.memory_space<vmem>> -> memref<8x128xf32, #tpu.memory_space<vmem>>
      %dma_start3A_400 = tpu.memref_slice %arg2[%multiple_of3A_389, %multiple_of3A_386] : memref<128x32768xf32, #tpu.memory_space<hbm>> -> memref<8x128xf32, #tpu.memory_space<hbm>>
      tpu.enqueue_dma source(%dma_start3A_400 : memref<8x128xf32, #tpu.memory_space<hbm>>) target(%dma_start3A_399 : memref<8x128xf32, #tpu.memory_space<vmem>>) target_semaphore(%arg8 : memref<!tpu.dma_semaphore, #tpu.memory_space<semaphore_mem>>)
      %eq3A_401 = arith.constant 13 : i32
      %eq3A_402 = vector.broadcast %eq3A_401 : i32 to vector<16xi32>
      %eq3A_403 = arith.cmpi eq, %iota3A, %eq3A_402 : vector<16xi32>
      %jit3A_404 = arith.constant 0 : i32
      %broadcast_in_dim3A_405 = vector.broadcast %jit3A_404 : i32 to vector<16xi32>
      %select_n3A_406 = arith.select %eq3A_403, %get3A_5, %broadcast_in_dim3A_405 : vector<16xi1>, vector<16xi32>
      %reduce_max3A_407 = arith.constant true
      %reduce_max3A_408 = vector.broadcast %reduce_max3A_407 : i1 to vector<16xi1>
      %reduce_max3A_409 = arith.constant -2147483648 : i32
      %reduce_max3A_410 = vector.broadcast %reduce_max3A_409 : i32 to vector<16xi32>
      %reduce_max3A_411 = arith.xori %select_n3A_406, %reduce_max3A_410 : vector<16xi32>
      %reduce_max3A_412 = tpu.scan <max>, %reduce_max3A_411 masked %reduce_max3A_408 : vector<16xi32>, vector<16xi1> -> vector<16xi32>
      %reduce_max3A_413 = arith.xori %reduce_max3A_412, %reduce_max3A_410 : vector<16xi32>
      %reduce_max3A_414 = vector.extract %reduce_max3A_413[15] : i32 from vector<16xi32>
      %and3A_415 = arith.constant -128 : i32
      %and3A_416 = arith.andi %reduce_max3A_414, %and3A_415 : i32
      %multiple_of3A_417 = tpu.assume_multiple %and3A_416, 128 : i32
      %add3A_418 = arith.constant 8 : i32
      %add3A_419 = arith.addi %mul3A_4, %add3A_418 : i32
      %multiple_of3A_420 = tpu.assume_multiple %add3A_419, 8 : i32
      %dma_start3A_421 = arith.constant 13 : i32
      %dma_start3A_422 = arith.constant 0 : i32
      %dma_start3A_423 = arith.constant 0 : i32
      %dma_start3A_424 = tpu.memref_slice %arg6[%dma_start3A_421, %dma_start3A_422, %dma_start3A_423] : memref<16x8x128xf32, #tpu.memory_space<vmem>> -> memref<1x8x128xf32, #tpu.memory_space<vmem>>
      %dma_start3A_425 = tpu.memref_squeeze %dma_start3A_424 : memref<1x8x128xf32, #tpu.memory_space<vmem>> -> memref<8x128xf32, #tpu.memory_space<vmem>>
      %dma_start3A_426 = tpu.memref_slice %arg2[%multiple_of3A_420, %multiple_of3A_417] : memref<128x32768xf32, #tpu.memory_space<hbm>> -> memref<8x128xf32, #tpu.memory_space<hbm>>
      %dma_start3A_427 = arith.constant 0 : i32
      %dma_start3A_428 = arith.constant 0 : i32
      %dma_start3A_429 = tpu.memref_slice %arg6[%dma_start3A_421, %dma_start3A_427, %dma_start3A_428] : memref<16x8x128xf32, #tpu.memory_space<vmem>> -> memref<1x8x128xf32, #tpu.memory_space<vmem>>
      %dma_start3A_430 = tpu.memref_squeeze %dma_start3A_429 : memref<1x8x128xf32, #tpu.memory_space<vmem>> -> memref<8x128xf32, #tpu.memory_space<vmem>>
      %dma_start3A_431 = tpu.memref_slice %arg2[%multiple_of3A_420, %multiple_of3A_417] : memref<128x32768xf32, #tpu.memory_space<hbm>> -> memref<8x128xf32, #tpu.memory_space<hbm>>
      tpu.enqueue_dma source(%dma_start3A_431 : memref<8x128xf32, #tpu.memory_space<hbm>>) target(%dma_start3A_430 : memref<8x128xf32, #tpu.memory_space<vmem>>) target_semaphore(%arg8 : memref<!tpu.dma_semaphore, #tpu.memory_space<semaphore_mem>>)
      %eq3A_432 = arith.constant 14 : i32
      %eq3A_433 = vector.broadcast %eq3A_432 : i32 to vector<16xi32>
      %eq3A_434 = arith.cmpi eq, %iota3A, %eq3A_433 : vector<16xi32>
      %jit3A_435 = arith.constant 0 : i32
      %broadcast_in_dim3A_436 = vector.broadcast %jit3A_435 : i32 to vector<16xi32>
      %select_n3A_437 = arith.select %eq3A_434, %get3A_5, %broadcast_in_dim3A_436 : vector<16xi1>, vector<16xi32>
      %reduce_max3A_438 = arith.constant true
      %reduce_max3A_439 = vector.broadcast %reduce_max3A_438 : i1 to vector<16xi1>
      %reduce_max3A_440 = arith.constant -2147483648 : i32
      %reduce_max3A_441 = vector.broadcast %reduce_max3A_440 : i32 to vector<16xi32>
      %reduce_max3A_442 = arith.xori %select_n3A_437, %reduce_max3A_441 : vector<16xi32>
      %reduce_max3A_443 = tpu.scan <max>, %reduce_max3A_442 masked %reduce_max3A_439 : vector<16xi32>, vector<16xi1> -> vector<16xi32>
      %reduce_max3A_444 = arith.xori %reduce_max3A_443, %reduce_max3A_441 : vector<16xi32>
      %reduce_max3A_445 = vector.extract %reduce_max3A_444[15] : i32 from vector<16xi32>
      %and3A_446 = arith.constant -128 : i32
      %and3A_447 = arith.andi %reduce_max3A_445, %and3A_446 : i32
      %multiple_of3A_448 = tpu.assume_multiple %and3A_447, 128 : i32
      %add3A_449 = arith.constant 8 : i32
      %add3A_450 = arith.addi %mul3A_4, %add3A_449 : i32
      %multiple_of3A_451 = tpu.assume_multiple %add3A_450, 8 : i32
      %dma_start3A_452 = arith.constant 14 : i32
      %dma_start3A_453 = arith.constant 0 : i32
      %dma_start3A_454 = arith.constant 0 : i32
      %dma_start3A_455 = tpu.memref_slice %arg6[%dma_start3A_452, %dma_start3A_453, %dma_start3A_454] : memref<16x8x128xf32, #tpu.memory_space<vmem>> -> memref<1x8x128xf32, #tpu.memory_space<vmem>>
      %dma_start3A_456 = tpu.memref_squeeze %dma_start3A_455 : memref<1x8x128xf32, #tpu.memory_space<vmem>> -> memref<8x128xf32, #tpu.memory_space<vmem>>
      %dma_start3A_457 = tpu.memref_slice %arg2[%multiple_of3A_451, %multiple_of3A_448] : memref<128x32768xf32, #tpu.memory_space<hbm>> -> memref<8x128xf32, #tpu.memory_space<hbm>>
      %dma_start3A_458 = arith.constant 0 : i32
      %dma_start3A_459 = arith.constant 0 : i32
      %dma_start3A_460 = tpu.memref_slice %arg6[%dma_start3A_452, %dma_start3A_458, %dma_start3A_459] : memref<16x8x128xf32, #tpu.memory_space<vmem>> -> memref<1x8x128xf32, #tpu.memory_space<vmem>>
      %dma_start3A_461 = tpu.memref_squeeze %dma_start3A_460 : memref<1x8x128xf32, #tpu.memory_space<vmem>> -> memref<8x128xf32, #tpu.memory_space<vmem>>
      %dma_start3A_462 = tpu.memref_slice %arg2[%multiple_of3A_451, %multiple_of3A_448] : memref<128x32768xf32, #tpu.memory_space<hbm>> -> memref<8x128xf32, #tpu.memory_space<hbm>>
      tpu.enqueue_dma source(%dma_start3A_462 : memref<8x128xf32, #tpu.memory_space<hbm>>) target(%dma_start3A_461 : memref<8x128xf32, #tpu.memory_space<vmem>>) target_semaphore(%arg8 : memref<!tpu.dma_semaphore, #tpu.memory_space<semaphore_mem>>)
      %eq3A_463 = arith.constant 15 : i32
      %eq3A_464 = vector.broadcast %eq3A_463 : i32 to vector<16xi32>
      %eq3A_465 = arith.cmpi eq, %iota3A, %eq3A_464 : vector<16xi32>
      %jit3A_466 = arith.constant 0 : i32
      %broadcast_in_dim3A_467 = vector.broadcast %jit3A_466 : i32 to vector<16xi32>
      %select_n3A_468 = arith.select %eq3A_465, %get3A_5, %broadcast_in_dim3A_467 : vector<16xi1>, vector<16xi32>
      %reduce_max3A_469 = arith.constant true
      %reduce_max3A_470 = vector.broadcast %reduce_max3A_469 : i1 to vector<16xi1>
      %reduce_max3A_471 = arith.constant -2147483648 : i32
      %reduce_max3A_472 = vector.broadcast %reduce_max3A_471 : i32 to vector<16xi32>
      %reduce_max3A_473 = arith.xori %select_n3A_468, %reduce_max3A_472 : vector<16xi32>
      %reduce_max3A_474 = tpu.scan <max>, %reduce_max3A_473 masked %reduce_max3A_470 : vector<16xi32>, vector<16xi1> -> vector<16xi32>
      %reduce_max3A_475 = arith.xori %reduce_max3A_474, %reduce_max3A_472 : vector<16xi32>
      %reduce_max3A_476 = vector.extract %reduce_max3A_475[15] : i32 from vector<16xi32>
      %and3A_477 = arith.constant -128 : i32
      %and3A_478 = arith.andi %reduce_max3A_476, %and3A_477 : i32
      %multiple_of3A_479 = tpu.assume_multiple %and3A_478, 128 : i32
      %add3A_480 = arith.constant 8 : i32
      %add3A_481 = arith.addi %mul3A_4, %add3A_480 : i32
      %multiple_of3A_482 = tpu.assume_multiple %add3A_481, 8 : i32
      %dma_start3A_483 = arith.constant 15 : i32
      %dma_start3A_484 = arith.constant 0 : i32
      %dma_start3A_485 = arith.constant 0 : i32
      %dma_start3A_486 = tpu.memref_slice %arg6[%dma_start3A_483, %dma_start3A_484, %dma_start3A_485] : memref<16x8x128xf32, #tpu.memory_space<vmem>> -> memref<1x8x128xf32, #tpu.memory_space<vmem>>
      %dma_start3A_487 = tpu.memref_squeeze %dma_start3A_486 : memref<1x8x128xf32, #tpu.memory_space<vmem>> -> memref<8x128xf32, #tpu.memory_space<vmem>>
      %dma_start3A_488 = tpu.memref_slice %arg2[%multiple_of3A_482, %multiple_of3A_479] : memref<128x32768xf32, #tpu.memory_space<hbm>> -> memref<8x128xf32, #tpu.memory_space<hbm>>
      %dma_start3A_489 = arith.constant 0 : i32
      %dma_start3A_490 = arith.constant 0 : i32
      %dma_start3A_491 = tpu.memref_slice %arg6[%dma_start3A_483, %dma_start3A_489, %dma_start3A_490] : memref<16x8x128xf32, #tpu.memory_space<vmem>> -> memref<1x8x128xf32, #tpu.memory_space<vmem>>
      %dma_start3A_492 = tpu.memref_squeeze %dma_start3A_491 : memref<1x8x128xf32, #tpu.memory_space<vmem>> -> memref<8x128xf32, #tpu.memory_space<vmem>>
      %dma_start3A_493 = tpu.memref_slice %arg2[%multiple_of3A_482, %multiple_of3A_479] : memref<128x32768xf32, #tpu.memory_space<hbm>> -> memref<8x128xf32, #tpu.memory_space<hbm>>
      tpu.enqueue_dma source(%dma_start3A_493 : memref<8x128xf32, #tpu.memory_space<hbm>>) target(%dma_start3A_492 : memref<8x128xf32, #tpu.memory_space<vmem>>) target_semaphore(%arg8 : memref<!tpu.dma_semaphore, #tpu.memory_space<semaphore_mem>>)
      %dma_wait3A = arith.constant 0 : i32
      %dma_wait3A_494 = arith.constant 0 : i32
      %dma_wait3A_495 = arith.constant 0 : i32
      %dma_wait3A_496 = tpu.memref_slice %arg6[%dma_wait3A, %dma_wait3A_494, %dma_wait3A_495] : memref<16x8x128xf32, #tpu.memory_space<vmem>> -> memref<1x8x128xf32, #tpu.memory_space<vmem>>
      %dma_wait3A_497 = tpu.memref_squeeze %dma_wait3A_496 : memref<1x8x128xf32, #tpu.memory_space<vmem>> -> memref<8x128xf32, #tpu.memory_space<vmem>>
      %dma_wait3A_498 = tpu.memref_slice %arg2[%multiple_of3A_18, %multiple_of3A] : memref<128x32768xf32, #tpu.memory_space<hbm>> -> memref<8x128xf32, #tpu.memory_space<hbm>>
      %dma_wait3A_499 = arith.constant 0 : i32
      %dma_wait3A_500 = arith.constant 0 : i32
      %dma_wait3A_501 = tpu.memref_slice %arg6[%dma_wait3A, %dma_wait3A_499, %dma_wait3A_500] : memref<16x8x128xf32, #tpu.memory_space<vmem>> -> memref<1x8x128xf32, #tpu.memory_space<vmem>>
      %dma_wait3A_502 = tpu.memref_squeeze %dma_wait3A_501 : memref<1x8x128xf32, #tpu.memory_space<vmem>> -> memref<8x128xf32, #tpu.memory_space<vmem>>
      %dma_wait3A_503 = tpu.memref_slice %arg2[%multiple_of3A_18, %multiple_of3A] : memref<128x32768xf32, #tpu.memory_space<hbm>> -> memref<8x128xf32, #tpu.memory_space<hbm>>
      tpu.wait_dma2 semaphore(%arg8 : memref<!tpu.dma_semaphore, #tpu.memory_space<semaphore_mem>>) src(%dma_wait3A_503 : memref<8x128xf32, #tpu.memory_space<hbm>>) dst(%dma_wait3A_502 : memref<8x128xf32, #tpu.memory_space<vmem>>)
      %dma_wait3A_504 = arith.constant 1 : i32
      %dma_wait3A_505 = arith.constant 0 : i32
      %dma_wait3A_506 = arith.constant 0 : i32
      %dma_wait3A_507 = tpu.memref_slice %arg6[%dma_wait3A_504, %dma_wait3A_505, %dma_wait3A_506] : memref<16x8x128xf32, #tpu.memory_space<vmem>> -> memref<1x8x128xf32, #tpu.memory_space<vmem>>
      %dma_wait3A_508 = tpu.memref_squeeze %dma_wait3A_507 : memref<1x8x128xf32, #tpu.memory_space<vmem>> -> memref<8x128xf32, #tpu.memory_space<vmem>>
      %dma_wait3A_509 = tpu.memref_slice %arg2[%multiple_of3A_48, %multiple_of3A_45] : memref<128x32768xf32, #tpu.memory_space<hbm>> -> memref<8x128xf32, #tpu.memory_space<hbm>>
      %dma_wait3A_510 = arith.constant 0 : i32
      %dma_wait3A_511 = arith.constant 0 : i32
      %dma_wait3A_512 = tpu.memref_slice %arg6[%dma_wait3A_504, %dma_wait3A_510, %dma_wait3A_511] : memref<16x8x128xf32, #tpu.memory_space<vmem>> -> memref<1x8x128xf32, #tpu.memory_space<vmem>>
      %dma_wait3A_513 = tpu.memref_squeeze %dma_wait3A_512 : memref<1x8x128xf32, #tpu.memory_space<vmem>> -> memref<8x128xf32, #tpu.memory_space<vmem>>
      %dma_wait3A_514 = tpu.memref_slice %arg2[%multiple_of3A_48, %multiple_of3A_45] : memref<128x32768xf32, #tpu.memory_space<hbm>> -> memref<8x128xf32, #tpu.memory_space<hbm>>
      tpu.wait_dma2 semaphore(%arg8 : memref<!tpu.dma_semaphore, #tpu.memory_space<semaphore_mem>>) src(%dma_wait3A_514 : memref<8x128xf32, #tpu.memory_space<hbm>>) dst(%dma_wait3A_513 : memref<8x128xf32, #tpu.memory_space<vmem>>)
      %dma_wait3A_515 = arith.constant 2 : i32
      %dma_wait3A_516 = arith.constant 0 : i32
      %dma_wait3A_517 = arith.constant 0 : i32
      %dma_wait3A_518 = tpu.memref_slice %arg6[%dma_wait3A_515, %dma_wait3A_516, %dma_wait3A_517] : memref<16x8x128xf32, #tpu.memory_space<vmem>> -> memref<1x8x128xf32, #tpu.memory_space<vmem>>
      %dma_wait3A_519 = tpu.memref_squeeze %dma_wait3A_518 : memref<1x8x128xf32, #tpu.memory_space<vmem>> -> memref<8x128xf32, #tpu.memory_space<vmem>>
      %dma_wait3A_520 = tpu.memref_slice %arg2[%multiple_of3A_79, %multiple_of3A_76] : memref<128x32768xf32, #tpu.memory_space<hbm>> -> memref<8x128xf32, #tpu.memory_space<hbm>>
      %dma_wait3A_521 = arith.constant 0 : i32
      %dma_wait3A_522 = arith.constant 0 : i32
      %dma_wait3A_523 = tpu.memref_slice %arg6[%dma_wait3A_515, %dma_wait3A_521, %dma_wait3A_522] : memref<16x8x128xf32, #tpu.memory_space<vmem>> -> memref<1x8x128xf32, #tpu.memory_space<vmem>>
      %dma_wait3A_524 = tpu.memref_squeeze %dma_wait3A_523 : memref<1x8x128xf32, #tpu.memory_space<vmem>> -> memref<8x128xf32, #tpu.memory_space<vmem>>
      %dma_wait3A_525 = tpu.memref_slice %arg2[%multiple_of3A_79, %multiple_of3A_76] : memref<128x32768xf32, #tpu.memory_space<hbm>> -> memref<8x128xf32, #tpu.memory_space<hbm>>
      tpu.wait_dma2 semaphore(%arg8 : memref<!tpu.dma_semaphore, #tpu.memory_space<semaphore_mem>>) src(%dma_wait3A_525 : memref<8x128xf32, #tpu.memory_space<hbm>>) dst(%dma_wait3A_524 : memref<8x128xf32, #tpu.memory_space<vmem>>)
      %dma_wait3A_526 = arith.constant 3 : i32
      %dma_wait3A_527 = arith.constant 0 : i32
      %dma_wait3A_528 = arith.constant 0 : i32
      %dma_wait3A_529 = tpu.memref_slice %arg6[%dma_wait3A_526, %dma_wait3A_527, %dma_wait3A_528] : memref<16x8x128xf32, #tpu.memory_space<vmem>> -> memref<1x8x128xf32, #tpu.memory_space<vmem>>
      %dma_wait3A_530 = tpu.memref_squeeze %dma_wait3A_529 : memref<1x8x128xf32, #tpu.memory_space<vmem>> -> memref<8x128xf32, #tpu.memory_space<vmem>>
      %dma_wait3A_531 = tpu.memref_slice %arg2[%multiple_of3A_110, %multiple_of3A_107] : memref<128x32768xf32, #tpu.memory_space<hbm>> -> memref<8x128xf32, #tpu.memory_space<hbm>>
      %dma_wait3A_532 = arith.constant 0 : i32
      %dma_wait3A_533 = arith.constant 0 : i32
      %dma_wait3A_534 = tpu.memref_slice %arg6[%dma_wait3A_526, %dma_wait3A_532, %dma_wait3A_533] : memref<16x8x128xf32, #tpu.memory_space<vmem>> -> memref<1x8x128xf32, #tpu.memory_space<vmem>>
      %dma_wait3A_535 = tpu.memref_squeeze %dma_wait3A_534 : memref<1x8x128xf32, #tpu.memory_space<vmem>> -> memref<8x128xf32, #tpu.memory_space<vmem>>
      %dma_wait3A_536 = tpu.memref_slice %arg2[%multiple_of3A_110, %multiple_of3A_107] : memref<128x32768xf32, #tpu.memory_space<hbm>> -> memref<8x128xf32, #tpu.memory_space<hbm>>
      tpu.wait_dma2 semaphore(%arg8 : memref<!tpu.dma_semaphore, #tpu.memory_space<semaphore_mem>>) src(%dma_wait3A_536 : memref<8x128xf32, #tpu.memory_space<hbm>>) dst(%dma_wait3A_535 : memref<8x128xf32, #tpu.memory_space<vmem>>)
      %dma_wait3A_537 = arith.constant 4 : i32
      %dma_wait3A_538 = arith.constant 0 : i32
      %dma_wait3A_539 = arith.constant 0 : i32
      %dma_wait3A_540 = tpu.memref_slice %arg6[%dma_wait3A_537, %dma_wait3A_538, %dma_wait3A_539] : memref<16x8x128xf32, #tpu.memory_space<vmem>> -> memref<1x8x128xf32, #tpu.memory_space<vmem>>
      %dma_wait3A_541 = tpu.memref_squeeze %dma_wait3A_540 : memref<1x8x128xf32, #tpu.memory_space<vmem>> -> memref<8x128xf32, #tpu.memory_space<vmem>>
      %dma_wait3A_542 = tpu.memref_slice %arg2[%multiple_of3A_141, %multiple_of3A_138] : memref<128x32768xf32, #tpu.memory_space<hbm>> -> memref<8x128xf32, #tpu.memory_space<hbm>>
      %dma_wait3A_543 = arith.constant 0 : i32
      %dma_wait3A_544 = arith.constant 0 : i32
      %dma_wait3A_545 = tpu.memref_slice %arg6[%dma_wait3A_537, %dma_wait3A_543, %dma_wait3A_544] : memref<16x8x128xf32, #tpu.memory_space<vmem>> -> memref<1x8x128xf32, #tpu.memory_space<vmem>>
      %dma_wait3A_546 = tpu.memref_squeeze %dma_wait3A_545 : memref<1x8x128xf32, #tpu.memory_space<vmem>> -> memref<8x128xf32, #tpu.memory_space<vmem>>
      %dma_wait3A_547 = tpu.memref_slice %arg2[%multiple_of3A_141, %multiple_of3A_138] : memref<128x32768xf32, #tpu.memory_space<hbm>> -> memref<8x128xf32, #tpu.memory_space<hbm>>
      tpu.wait_dma2 semaphore(%arg8 : memref<!tpu.dma_semaphore, #tpu.memory_space<semaphore_mem>>) src(%dma_wait3A_547 : memref<8x128xf32, #tpu.memory_space<hbm>>) dst(%dma_wait3A_546 : memref<8x128xf32, #tpu.memory_space<vmem>>)
      %dma_wait3A_548 = arith.constant 5 : i32
      %dma_wait3A_549 = arith.constant 0 : i32
      %dma_wait3A_550 = arith.constant 0 : i32
      %dma_wait3A_551 = tpu.memref_slice %arg6[%dma_wait3A_548, %dma_wait3A_549, %dma_wait3A_550] : memref<16x8x128xf32, #tpu.memory_space<vmem>> -> memref<1x8x128xf32, #tpu.memory_space<vmem>>
      %dma_wait3A_552 = tpu.memref_squeeze %dma_wait3A_551 : memref<1x8x128xf32, #tpu.memory_space<vmem>> -> memref<8x128xf32, #tpu.memory_space<vmem>>
      %dma_wait3A_553 = tpu.memref_slice %arg2[%multiple_of3A_172, %multiple_of3A_169] : memref<128x32768xf32, #tpu.memory_space<hbm>> -> memref<8x128xf32, #tpu.memory_space<hbm>>
      %dma_wait3A_554 = arith.constant 0 : i32
      %dma_wait3A_555 = arith.constant 0 : i32
      %dma_wait3A_556 = tpu.memref_slice %arg6[%dma_wait3A_548, %dma_wait3A_554, %dma_wait3A_555] : memref<16x8x128xf32, #tpu.memory_space<vmem>> -> memref<1x8x128xf32, #tpu.memory_space<vmem>>
      %dma_wait3A_557 = tpu.memref_squeeze %dma_wait3A_556 : memref<1x8x128xf32, #tpu.memory_space<vmem>> -> memref<8x128xf32, #tpu.memory_space<vmem>>
      %dma_wait3A_558 = tpu.memref_slice %arg2[%multiple_of3A_172, %multiple_of3A_169] : memref<128x32768xf32, #tpu.memory_space<hbm>> -> memref<8x128xf32, #tpu.memory_space<hbm>>
      tpu.wait_dma2 semaphore(%arg8 : memref<!tpu.dma_semaphore, #tpu.memory_space<semaphore_mem>>) src(%dma_wait3A_558 : memref<8x128xf32, #tpu.memory_space<hbm>>) dst(%dma_wait3A_557 : memref<8x128xf32, #tpu.memory_space<vmem>>)
      %dma_wait3A_559 = arith.constant 6 : i32
      %dma_wait3A_560 = arith.constant 0 : i32
      %dma_wait3A_561 = arith.constant 0 : i32
      %dma_wait3A_562 = tpu.memref_slice %arg6[%dma_wait3A_559, %dma_wait3A_560, %dma_wait3A_561] : memref<16x8x128xf32, #tpu.memory_space<vmem>> -> memref<1x8x128xf32, #tpu.memory_space<vmem>>
      %dma_wait3A_563 = tpu.memref_squeeze %dma_wait3A_562 : memref<1x8x128xf32, #tpu.memory_space<vmem>> -> memref<8x128xf32, #tpu.memory_space<vmem>>
      %dma_wait3A_564 = tpu.memref_slice %arg2[%multiple_of3A_203, %multiple_of3A_200] : memref<128x32768xf32, #tpu.memory_space<hbm>> -> memref<8x128xf32, #tpu.memory_space<hbm>>
      %dma_wait3A_565 = arith.constant 0 : i32
      %dma_wait3A_566 = arith.constant 0 : i32
      %dma_wait3A_567 = tpu.memref_slice %arg6[%dma_wait3A_559, %dma_wait3A_565, %dma_wait3A_566] : memref<16x8x128xf32, #tpu.memory_space<vmem>> -> memref<1x8x128xf32, #tpu.memory_space<vmem>>
      %dma_wait3A_568 = tpu.memref_squeeze %dma_wait3A_567 : memref<1x8x128xf32, #tpu.memory_space<vmem>> -> memref<8x128xf32, #tpu.memory_space<vmem>>
      %dma_wait3A_569 = tpu.memref_slice %arg2[%multiple_of3A_203, %multiple_of3A_200] : memref<128x32768xf32, #tpu.memory_space<hbm>> -> memref<8x128xf32, #tpu.memory_space<hbm>>
      tpu.wait_dma2 semaphore(%arg8 : memref<!tpu.dma_semaphore, #tpu.memory_space<semaphore_mem>>) src(%dma_wait3A_569 : memref<8x128xf32, #tpu.memory_space<hbm>>) dst(%dma_wait3A_568 : memref<8x128xf32, #tpu.memory_space<vmem>>)
      %dma_wait3A_570 = arith.constant 7 : i32
      %dma_wait3A_571 = arith.constant 0 : i32
      %dma_wait3A_572 = arith.constant 0 : i32
      %dma_wait3A_573 = tpu.memref_slice %arg6[%dma_wait3A_570, %dma_wait3A_571, %dma_wait3A_572] : memref<16x8x128xf32, #tpu.memory_space<vmem>> -> memref<1x8x128xf32, #tpu.memory_space<vmem>>
      %dma_wait3A_574 = tpu.memref_squeeze %dma_wait3A_573 : memref<1x8x128xf32, #tpu.memory_space<vmem>> -> memref<8x128xf32, #tpu.memory_space<vmem>>
      %dma_wait3A_575 = tpu.memref_slice %arg2[%multiple_of3A_234, %multiple_of3A_231] : memref<128x32768xf32, #tpu.memory_space<hbm>> -> memref<8x128xf32, #tpu.memory_space<hbm>>
      %dma_wait3A_576 = arith.constant 0 : i32
      %dma_wait3A_577 = arith.constant 0 : i32
      %dma_wait3A_578 = tpu.memref_slice %arg6[%dma_wait3A_570, %dma_wait3A_576, %dma_wait3A_577] : memref<16x8x128xf32, #tpu.memory_space<vmem>> -> memref<1x8x128xf32, #tpu.memory_space<vmem>>
      %dma_wait3A_579 = tpu.memref_squeeze %dma_wait3A_578 : memref<1x8x128xf32, #tpu.memory_space<vmem>> -> memref<8x128xf32, #tpu.memory_space<vmem>>
      %dma_wait3A_580 = tpu.memref_slice %arg2[%multiple_of3A_234, %multiple_of3A_231] : memref<128x32768xf32, #tpu.memory_space<hbm>> -> memref<8x128xf32, #tpu.memory_space<hbm>>
      tpu.wait_dma2 semaphore(%arg8 : memref<!tpu.dma_semaphore, #tpu.memory_space<semaphore_mem>>) src(%dma_wait3A_580 : memref<8x128xf32, #tpu.memory_space<hbm>>) dst(%dma_wait3A_579 : memref<8x128xf32, #tpu.memory_space<vmem>>)
      %dma_wait3A_581 = arith.constant 8 : i32
      %dma_wait3A_582 = arith.constant 0 : i32
      %dma_wait3A_583 = arith.constant 0 : i32
      %dma_wait3A_584 = tpu.memref_slice %arg6[%dma_wait3A_581, %dma_wait3A_582, %dma_wait3A_583] : memref<16x8x128xf32, #tpu.memory_space<vmem>> -> memref<1x8x128xf32, #tpu.memory_space<vmem>>
      %dma_wait3A_585 = tpu.memref_squeeze %dma_wait3A_584 : memref<1x8x128xf32, #tpu.memory_space<vmem>> -> memref<8x128xf32, #tpu.memory_space<vmem>>
      %dma_wait3A_586 = tpu.memref_slice %arg2[%multiple_of3A_265, %multiple_of3A_262] : memref<128x32768xf32, #tpu.memory_space<hbm>> -> memref<8x128xf32, #tpu.memory_space<hbm>>
      %dma_wait3A_587 = arith.constant 0 : i32
      %dma_wait3A_588 = arith.constant 0 : i32
      %dma_wait3A_589 = tpu.memref_slice %arg6[%dma_wait3A_581, %dma_wait3A_587, %dma_wait3A_588] : memref<16x8x128xf32, #tpu.memory_space<vmem>> -> memref<1x8x128xf32, #tpu.memory_space<vmem>>
      %dma_wait3A_590 = tpu.memref_squeeze %dma_wait3A_589 : memref<1x8x128xf32, #tpu.memory_space<vmem>> -> memref<8x128xf32, #tpu.memory_space<vmem>>
      %dma_wait3A_591 = tpu.memref_slice %arg2[%multiple_of3A_265, %multiple_of3A_262] : memref<128x32768xf32, #tpu.memory_space<hbm>> -> memref<8x128xf32, #tpu.memory_space<hbm>>
      tpu.wait_dma2 semaphore(%arg8 : memref<!tpu.dma_semaphore, #tpu.memory_space<semaphore_mem>>) src(%dma_wait3A_591 : memref<8x128xf32, #tpu.memory_space<hbm>>) dst(%dma_wait3A_590 : memref<8x128xf32, #tpu.memory_space<vmem>>)
      %dma_wait3A_592 = arith.constant 9 : i32
      %dma_wait3A_593 = arith.constant 0 : i32
      %dma_wait3A_594 = arith.constant 0 : i32
      %dma_wait3A_595 = tpu.memref_slice %arg6[%dma_wait3A_592, %dma_wait3A_593, %dma_wait3A_594] : memref<16x8x128xf32, #tpu.memory_space<vmem>> -> memref<1x8x128xf32, #tpu.memory_space<vmem>>
      %dma_wait3A_596 = tpu.memref_squeeze %dma_wait3A_595 : memref<1x8x128xf32, #tpu.memory_space<vmem>> -> memref<8x128xf32, #tpu.memory_space<vmem>>
      %dma_wait3A_597 = tpu.memref_slice %arg2[%multiple_of3A_296, %multiple_of3A_293] : memref<128x32768xf32, #tpu.memory_space<hbm>> -> memref<8x128xf32, #tpu.memory_space<hbm>>
      %dma_wait3A_598 = arith.constant 0 : i32
      %dma_wait3A_599 = arith.constant 0 : i32
      %dma_wait3A_600 = tpu.memref_slice %arg6[%dma_wait3A_592, %dma_wait3A_598, %dma_wait3A_599] : memref<16x8x128xf32, #tpu.memory_space<vmem>> -> memref<1x8x128xf32, #tpu.memory_space<vmem>>
      %dma_wait3A_601 = tpu.memref_squeeze %dma_wait3A_600 : memref<1x8x128xf32, #tpu.memory_space<vmem>> -> memref<8x128xf32, #tpu.memory_space<vmem>>
      %dma_wait3A_602 = tpu.memref_slice %arg2[%multiple_of3A_296, %multiple_of3A_293] : memref<128x32768xf32, #tpu.memory_space<hbm>> -> memref<8x128xf32, #tpu.memory_space<hbm>>
      tpu.wait_dma2 semaphore(%arg8 : memref<!tpu.dma_semaphore, #tpu.memory_space<semaphore_mem>>) src(%dma_wait3A_602 : memref<8x128xf32, #tpu.memory_space<hbm>>) dst(%dma_wait3A_601 : memref<8x128xf32, #tpu.memory_space<vmem>>)
      %dma_wait3A_603 = arith.constant 10 : i32
      %dma_wait3A_604 = arith.constant 0 : i32
      %dma_wait3A_605 = arith.constant 0 : i32
      %dma_wait3A_606 = tpu.memref_slice %arg6[%dma_wait3A_603, %dma_wait3A_604, %dma_wait3A_605] : memref<16x8x128xf32, #tpu.memory_space<vmem>> -> memref<1x8x128xf32, #tpu.memory_space<vmem>>
      %dma_wait3A_607 = tpu.memref_squeeze %dma_wait3A_606 : memref<1x8x128xf32, #tpu.memory_space<vmem>> -> memref<8x128xf32, #tpu.memory_space<vmem>>
      %dma_wait3A_608 = tpu.memref_slice %arg2[%multiple_of3A_327, %multiple_of3A_324] : memref<128x32768xf32, #tpu.memory_space<hbm>> -> memref<8x128xf32, #tpu.memory_space<hbm>>
      %dma_wait3A_609 = arith.constant 0 : i32
      %dma_wait3A_610 = arith.constant 0 : i32
      %dma_wait3A_611 = tpu.memref_slice %arg6[%dma_wait3A_603, %dma_wait3A_609, %dma_wait3A_610] : memref<16x8x128xf32, #tpu.memory_space<vmem>> -> memref<1x8x128xf32, #tpu.memory_space<vmem>>
      %dma_wait3A_612 = tpu.memref_squeeze %dma_wait3A_611 : memref<1x8x128xf32, #tpu.memory_space<vmem>> -> memref<8x128xf32, #tpu.memory_space<vmem>>
      %dma_wait3A_613 = tpu.memref_slice %arg2[%multiple_of3A_327, %multiple_of3A_324] : memref<128x32768xf32, #tpu.memory_space<hbm>> -> memref<8x128xf32, #tpu.memory_space<hbm>>
      tpu.wait_dma2 semaphore(%arg8 : memref<!tpu.dma_semaphore, #tpu.memory_space<semaphore_mem>>) src(%dma_wait3A_613 : memref<8x128xf32, #tpu.memory_space<hbm>>) dst(%dma_wait3A_612 : memref<8x128xf32, #tpu.memory_space<vmem>>)
      %dma_wait3A_614 = arith.constant 11 : i32
      %dma_wait3A_615 = arith.constant 0 : i32
      %dma_wait3A_616 = arith.constant 0 : i32
      %dma_wait3A_617 = tpu.memref_slice %arg6[%dma_wait3A_614, %dma_wait3A_615, %dma_wait3A_616] : memref<16x8x128xf32, #tpu.memory_space<vmem>> -> memref<1x8x128xf32, #tpu.memory_space<vmem>>
      %dma_wait3A_618 = tpu.memref_squeeze %dma_wait3A_617 : memref<1x8x128xf32, #tpu.memory_space<vmem>> -> memref<8x128xf32, #tpu.memory_space<vmem>>
      %dma_wait3A_619 = tpu.memref_slice %arg2[%multiple_of3A_358, %multiple_of3A_355] : memref<128x32768xf32, #tpu.memory_space<hbm>> -> memref<8x128xf32, #tpu.memory_space<hbm>>
      %dma_wait3A_620 = arith.constant 0 : i32
      %dma_wait3A_621 = arith.constant 0 : i32
      %dma_wait3A_622 = tpu.memref_slice %arg6[%dma_wait3A_614, %dma_wait3A_620, %dma_wait3A_621] : memref<16x8x128xf32, #tpu.memory_space<vmem>> -> memref<1x8x128xf32, #tpu.memory_space<vmem>>
      %dma_wait3A_623 = tpu.memref_squeeze %dma_wait3A_622 : memref<1x8x128xf32, #tpu.memory_space<vmem>> -> memref<8x128xf32, #tpu.memory_space<vmem>>
      %dma_wait3A_624 = tpu.memref_slice %arg2[%multiple_of3A_358, %multiple_of3A_355] : memref<128x32768xf32, #tpu.memory_space<hbm>> -> memref<8x128xf32, #tpu.memory_space<hbm>>
      tpu.wait_dma2 semaphore(%arg8 : memref<!tpu.dma_semaphore, #tpu.memory_space<semaphore_mem>>) src(%dma_wait3A_624 : memref<8x128xf32, #tpu.memory_space<hbm>>) dst(%dma_wait3A_623 : memref<8x128xf32, #tpu.memory_space<vmem>>)
      %dma_wait3A_625 = arith.constant 12 : i32
      %dma_wait3A_626 = arith.constant 0 : i32
      %dma_wait3A_627 = arith.constant 0 : i32
      %dma_wait3A_628 = tpu.memref_slice %arg6[%dma_wait3A_625, %dma_wait3A_626, %dma_wait3A_627] : memref<16x8x128xf32, #tpu.memory_space<vmem>> -> memref<1x8x128xf32, #tpu.memory_space<vmem>>
      %dma_wait3A_629 = tpu.memref_squeeze %dma_wait3A_628 : memref<1x8x128xf32, #tpu.memory_space<vmem>> -> memref<8x128xf32, #tpu.memory_space<vmem>>
      %dma_wait3A_630 = tpu.memref_slice %arg2[%multiple_of3A_389, %multiple_of3A_386] : memref<128x32768xf32, #tpu.memory_space<hbm>> -> memref<8x128xf32, #tpu.memory_space<hbm>>
      %dma_wait3A_631 = arith.constant 0 : i32
      %dma_wait3A_632 = arith.constant 0 : i32
      %dma_wait3A_633 = tpu.memref_slice %arg6[%dma_wait3A_625, %dma_wait3A_631, %dma_wait3A_632] : memref<16x8x128xf32, #tpu.memory_space<vmem>> -> memref<1x8x128xf32, #tpu.memory_space<vmem>>
      %dma_wait3A_634 = tpu.memref_squeeze %dma_wait3A_633 : memref<1x8x128xf32, #tpu.memory_space<vmem>> -> memref<8x128xf32, #tpu.memory_space<vmem>>
      %dma_wait3A_635 = tpu.memref_slice %arg2[%multiple_of3A_389, %multiple_of3A_386] : memref<128x32768xf32, #tpu.memory_space<hbm>> -> memref<8x128xf32, #tpu.memory_space<hbm>>
      tpu.wait_dma2 semaphore(%arg8 : memref<!tpu.dma_semaphore, #tpu.memory_space<semaphore_mem>>) src(%dma_wait3A_635 : memref<8x128xf32, #tpu.memory_space<hbm>>) dst(%dma_wait3A_634 : memref<8x128xf32, #tpu.memory_space<vmem>>)
      %dma_wait3A_636 = arith.constant 13 : i32
      %dma_wait3A_637 = arith.constant 0 : i32
      %dma_wait3A_638 = arith.constant 0 : i32
      %dma_wait3A_639 = tpu.memref_slice %arg6[%dma_wait3A_636, %dma_wait3A_637, %dma_wait3A_638] : memref<16x8x128xf32, #tpu.memory_space<vmem>> -> memref<1x8x128xf32, #tpu.memory_space<vmem>>
      %dma_wait3A_640 = tpu.memref_squeeze %dma_wait3A_639 : memref<1x8x128xf32, #tpu.memory_space<vmem>> -> memref<8x128xf32, #tpu.memory_space<vmem>>
      %dma_wait3A_641 = tpu.memref_slice %arg2[%multiple_of3A_420, %multiple_of3A_417] : memref<128x32768xf32, #tpu.memory_space<hbm>> -> memref<8x128xf32, #tpu.memory_space<hbm>>
      %dma_wait3A_642 = arith.constant 0 : i32
      %dma_wait3A_643 = arith.constant 0 : i32
      %dma_wait3A_644 = tpu.memref_slice %arg6[%dma_wait3A_636, %dma_wait3A_642, %dma_wait3A_643] : memref<16x8x128xf32, #tpu.memory_space<vmem>> -> memref<1x8x128xf32, #tpu.memory_space<vmem>>
      %dma_wait3A_645 = tpu.memref_squeeze %dma_wait3A_644 : memref<1x8x128xf32, #tpu.memory_space<vmem>> -> memref<8x128xf32, #tpu.memory_space<vmem>>
      %dma_wait3A_646 = tpu.memref_slice %arg2[%multiple_of3A_420, %multiple_of3A_417] : memref<128x32768xf32, #tpu.memory_space<hbm>> -> memref<8x128xf32, #tpu.memory_space<hbm>>
      tpu.wait_dma2 semaphore(%arg8 : memref<!tpu.dma_semaphore, #tpu.memory_space<semaphore_mem>>) src(%dma_wait3A_646 : memref<8x128xf32, #tpu.memory_space<hbm>>) dst(%dma_wait3A_645 : memref<8x128xf32, #tpu.memory_space<vmem>>)
      %dma_wait3A_647 = arith.constant 14 : i32
      %dma_wait3A_648 = arith.constant 0 : i32
      %dma_wait3A_649 = arith.constant 0 : i32
      %dma_wait3A_650 = tpu.memref_slice %arg6[%dma_wait3A_647, %dma_wait3A_648, %dma_wait3A_649] : memref<16x8x128xf32, #tpu.memory_space<vmem>> -> memref<1x8x128xf32, #tpu.memory_space<vmem>>
      %dma_wait3A_651 = tpu.memref_squeeze %dma_wait3A_650 : memref<1x8x128xf32, #tpu.memory_space<vmem>> -> memref<8x128xf32, #tpu.memory_space<vmem>>
      %dma_wait3A_652 = tpu.memref_slice %arg2[%multiple_of3A_451, %multiple_of3A_448] : memref<128x32768xf32, #tpu.memory_space<hbm>> -> memref<8x128xf32, #tpu.memory_space<hbm>>
      %dma_wait3A_653 = arith.constant 0 : i32
      %dma_wait3A_654 = arith.constant 0 : i32
      %dma_wait3A_655 = tpu.memref_slice %arg6[%dma_wait3A_647, %dma_wait3A_653, %dma_wait3A_654] : memref<16x8x128xf32, #tpu.memory_space<vmem>> -> memref<1x8x128xf32, #tpu.memory_space<vmem>>
      %dma_wait3A_656 = tpu.memref_squeeze %dma_wait3A_655 : memref<1x8x128xf32, #tpu.memory_space<vmem>> -> memref<8x128xf32, #tpu.memory_space<vmem>>
      %dma_wait3A_657 = tpu.memref_slice %arg2[%multiple_of3A_451, %multiple_of3A_448] : memref<128x32768xf32, #tpu.memory_space<hbm>> -> memref<8x128xf32, #tpu.memory_space<hbm>>
      tpu.wait_dma2 semaphore(%arg8 : memref<!tpu.dma_semaphore, #tpu.memory_space<semaphore_mem>>) src(%dma_wait3A_657 : memref<8x128xf32, #tpu.memory_space<hbm>>) dst(%dma_wait3A_656 : memref<8x128xf32, #tpu.memory_space<vmem>>)
      %dma_wait3A_658 = arith.constant 15 : i32
      %dma_wait3A_659 = arith.constant 0 : i32
      %dma_wait3A_660 = arith.constant 0 : i32
      %dma_wait3A_661 = tpu.memref_slice %arg6[%dma_wait3A_658, %dma_wait3A_659, %dma_wait3A_660] : memref<16x8x128xf32, #tpu.memory_space<vmem>> -> memref<1x8x128xf32, #tpu.memory_space<vmem>>
      %dma_wait3A_662 = tpu.memref_squeeze %dma_wait3A_661 : memref<1x8x128xf32, #tpu.memory_space<vmem>> -> memref<8x128xf32, #tpu.memory_space<vmem>>
      %dma_wait3A_663 = tpu.memref_slice %arg2[%multiple_of3A_482, %multiple_of3A_479] : memref<128x32768xf32, #tpu.memory_space<hbm>> -> memref<8x128xf32, #tpu.memory_space<hbm>>
      %dma_wait3A_664 = arith.constant 0 : i32
      %dma_wait3A_665 = arith.constant 0 : i32
      %dma_wait3A_666 = tpu.memref_slice %arg6[%dma_wait3A_658, %dma_wait3A_664, %dma_wait3A_665] : memref<16x8x128xf32, #tpu.memory_space<vmem>> -> memref<1x8x128xf32, #tpu.memory_space<vmem>>
      %dma_wait3A_667 = tpu.memref_squeeze %dma_wait3A_666 : memref<1x8x128xf32, #tpu.memory_space<vmem>> -> memref<8x128xf32, #tpu.memory_space<vmem>>
      %dma_wait3A_668 = tpu.memref_slice %arg2[%multiple_of3A_482, %multiple_of3A_479] : memref<128x32768xf32, #tpu.memory_space<hbm>> -> memref<8x128xf32, #tpu.memory_space<hbm>>
      tpu.wait_dma2 semaphore(%arg8 : memref<!tpu.dma_semaphore, #tpu.memory_space<semaphore_mem>>) src(%dma_wait3A_668 : memref<8x128xf32, #tpu.memory_space<hbm>>) dst(%dma_wait3A_667 : memref<8x128xf32, #tpu.memory_space<vmem>>)
      %get3A_669 = arith.constant 0 : index
      %get3A_670 = tpu.vector_load %arg5[%get3A_669] {strides = array<i32>} : memref<16xi32, #tpu.memory_space<vmem>>, vector<16xi32>,
      %add3A_671 = arith.constant 0 : i32
      %add3A_672 = vector.broadcast %add3A_671 : i32 to vector<16xi32>
      %add3A_673 = arith.addi %iota3A, %add3A_672 : vector<16xi32>
      %and3A_674 = arith.constant 7 : i32
      %and3A_675 = vector.broadcast %and3A_674 : i32 to vector<16xi32>
      %and3A_676 = arith.andi %iota3A, %and3A_675 : vector<16xi32>
      %and3A_677 = arith.constant 127 : i32
      %and3A_678 = vector.broadcast %and3A_677 : i32 to vector<16xi32>
      %and3A_679 = arith.andi %get3A_670, %and3A_678 : vector<16xi32>
      %gather3A = tpu.vector_load_idx %arg6[%add3A_673, %and3A_676, %and3A_679] : memref<16x8x128xf32, #tpu.memory_space<vmem>>[vector<16xi32>, vector<16xi32>, vector<16xi32>], vector<16xf32>,
      %swap3A = arith.constant 0 : index
      %swap3A_680 = tpu.vector_load %arg7[%swap3A] {strides = array<i32>} : memref<16xf32, #tpu.memory_space<vmem>>, vector<16xf32>,
      tpu.vector_store %arg7[%swap3A], %gather3A {strides = array<i32>} : memref<16xf32, #tpu.memory_space<vmem>>, vector<16xf32>,
      "tpu.region"() ({
        %run_scoped3A = tpu.sem_alloc : memref<!tpu.dma_semaphore, #tpu.memory_space<semaphore_mem>>
        %dma_start3A_681 = tpu.memref_slice %arg4[%mul3A_4] : memref<128xf32, #tpu.memory_space<hbm>> -> memref<16xf32, #tpu.memory_space<hbm>>
        %dma_start3A_682 = tpu.memref_slice %arg4[%mul3A_4] : memref<128xf32, #tpu.memory_space<hbm>> -> memref<16xf32, #tpu.memory_space<hbm>>
        tpu.enqueue_dma source(%arg7 : memref<16xf32, #tpu.memory_space<vmem>>) target(%dma_start3A_682 : memref<16xf32, #tpu.memory_space<hbm>>) target_semaphore(%run_scoped3A : memref<!tpu.dma_semaphore, #tpu.memory_space<semaphore_mem>>)
        %dma_wait3A_683 = tpu.memref_slice %arg4[%mul3A_4] : memref<128xf32, #tpu.memory_space<hbm>> -> memref<16xf32, #tpu.memory_space<hbm>>
        %dma_wait3A_684 = tpu.memref_slice %arg4[%mul3A_4] : memref<128xf32, #tpu.memory_space<hbm>> -> memref<16xf32, #tpu.memory_space<hbm>>
        tpu.wait_dma2 semaphore(%run_scoped3A : memref<!tpu.dma_semaphore, #tpu.memory_space<semaphore_mem>>) src(%arg7 : memref<16xf32, #tpu.memory_space<vmem>>) dst(%dma_wait3A_684 : memref<16xf32, #tpu.memory_space<hbm>>)
        tpu.yield
      }) : () -> ()
    } else {
    }
    return
  }
}

module attributes {stable_mosaic.version = 14 : i64} {
  func.func @body(%arg0: i32, %arg1: memref<128x8192xf32, #tpu.memory_space<vmem>>, %arg2: memref<128x1xf32, #tpu.memory_space<vmem>>, %arg3: memref<1xf32, #tpu.memory_space<smem>>, %arg4: memref<128x1xf32, #tpu.memory_space<vmem>>) attributes {dimension_semantics = [#tpu.dimension_semantics<arbitrary>], iteration_bounds = array<i64: 4>, scalar_prefetch = 0 : i64, scratch_operands = 1 : i64, tpu.core_type = #tpu.core_type<tc>, window_params = [{transform_indices = @transform_0, window_bounds = array<i64: 128, 8192>}, {pipeline_mode = #tpu.pipeline_mode<synchronous>, transform_indices = @transform_1, window_bounds = array<i64: 128, 1>}, {transform_indices = @transform_2, window_bounds = array<i64: 1>}]} {
    %eq3A = arith.constant 0 : i32
    %eq3A_0 = arith.cmpi eq, %arg0, %eq3A : i32
    %convert_element_type3A = arith.extui %eq3A_0 : i1 to i32
    %cond3A = arith.constant 0 : i32
    %cond3A_1 = arith.cmpi ne, %convert_element_type3A, %cond3A : i32
    scf.if %cond3A_1 {
      %broadcast_in_dim3A_21 = arith.constant 0.000000e+00 : f32
      %broadcast_in_dim3A_22 = vector.broadcast %broadcast_in_dim3A_21 : f32 to vector<128x1xf32>
      %swap3A_23 = arith.constant 0 : index
      %swap3A_24 = arith.constant 0 : index
      %swap3A_25 = vector.load %arg4[%swap3A_23, %swap3A_24] : memref<128x1xf32, #tpu.memory_space<vmem>>, vector<128x1xf32>
      tpu.vector_store %arg4[%swap3A_23, %swap3A_24], %broadcast_in_dim3A_22 {strides = array<i32>} : memref<128x1xf32, #tpu.memory_space<vmem>>, vector<128x1xf32>,
    } else {
    }
    %get3A = arith.constant 0 : index
    %get3A_2 = arith.constant 0 : index
    %get3A_3 = vector.load %arg1[%get3A, %get3A_2] : memref<128x8192xf32, #tpu.memory_space<vmem>>, vector<128x8192xf32>
    %get3A_4 = arith.constant 0 : index
    %get3A_5 = arith.constant 0 : index
    %get3A_6 = vector.load %arg2[%get3A_4, %get3A_5] : memref<128x1xf32, #tpu.memory_space<vmem>>, vector<128x1xf32>
    %ge3A = vector.broadcast %get3A_6 : vector<128x1xf32> to vector<128x8192xf32>
    %ge3A_7 = arith.cmpf oge, %get3A_3, %ge3A : vector<128x8192xf32>
    %convert_element_type3A_8 = arith.extui %ge3A_7 : vector<128x8192xi1> to vector<128x8192xi32>
    %convert_element_type3A_9 = arith.sitofp %convert_element_type3A_8 : vector<128x8192xi32> to vector<128x8192xf32>
    %get3A_10 = arith.constant 0 : index
    %get3A_11 = arith.constant 0 : index
    %get3A_12 = vector.load %arg4[%get3A_10, %get3A_11] : memref<128x1xf32, #tpu.memory_space<vmem>>, vector<128x1xf32>
    %reduce_sum3A = arith.constant dense<0.000000e+00> : vector<128xf32>
    %reduce_sum3A_13 = vector.multi_reduction <add>, %convert_element_type3A_9, %reduce_sum3A [1] : vector<128x8192xf32> to vector<128xf32>
    %broadcast_in_dim3A = vector.shape_cast %reduce_sum3A_13 : vector<128xf32> to vector<128x1xf32>
    %add3A = arith.addf %get3A_12, %broadcast_in_dim3A : vector<128x1xf32>
    %swap3A = arith.constant 0 : index
    %swap3A_14 = arith.constant 0 : index
    %swap3A_15 = vector.load %arg4[%swap3A, %swap3A_14] : memref<128x1xf32, #tpu.memory_space<vmem>>, vector<128x1xf32>
    tpu.vector_store %arg4[%swap3A, %swap3A_14], %add3A {strides = array<i32>} : memref<128x1xf32, #tpu.memory_space<vmem>>, vector<128x1xf32>,
    %eq3A_16 = arith.constant 3 : i32
    %eq3A_17 = arith.cmpi eq, %arg0, %eq3A_16 : i32
    %convert_element_type3A_18 = arith.extui %eq3A_17 : i1 to i32
    %cond3A_19 = arith.constant 0 : i32
    %cond3A_20 = arith.cmpi ne, %convert_element_type3A_18, %cond3A_19 : i32
    scf.if %cond3A_20 {
      %get3A_21 = arith.constant 0 : index
      %get3A_22 = arith.constant 0 : index
      %get3A_23 = vector.load %arg4[%get3A_21, %get3A_22] : memref<128x1xf32, #tpu.memory_space<vmem>>, vector<128x1xf32>
      %le3A = arith.constant 5.000000e+00 : f32
      %le3A_24 = vector.broadcast %le3A : f32 to vector<128x1xf32>
      %le3A_25 = arith.cmpf ole, %get3A_23, %le3A_24 : vector<128x1xf32>
      %convert_element_type3A_26 = arith.extui %le3A_25 : vector<128x1xi1> to vector<128x1xi32>
      %convert_element_type3A_27 = arith.sitofp %convert_element_type3A_26 : vector<128x1xi32> to vector<128x1xf32>
      %reduce_sum3A_28 = vector.shape_cast %convert_element_type3A_27 : vector<128x1xf32> to vector<1x128x1xf32>
      %reduce_sum3A_29 = arith.constant dense<0.000000e+00> : vector<1xf32>
      %reduce_sum3A_30 = vector.multi_reduction <add>, %reduce_sum3A_28, %reduce_sum3A_29 [1, 2] : vector<1x128x1xf32> to vector<1xf32>
      %reduce_sum3A_31 = vector.shape_cast %reduce_sum3A_30 : vector<1xf32> to vector<1x1x1xf32>
      %reduce_sum3A_32 = vector.extract %reduce_sum3A_31[0, 0, 0] : f32 from vector<1x1x1xf32>
      %div3A = arith.constant 1.280000e+02 : f32
      %div3A_33 = arith.divf %reduce_sum3A_32, %div3A : f32
      %swap3A_34 = arith.constant 0 : index
      %swap3A_35 = memref.load %arg3[%swap3A_34] : memref<1xf32, #tpu.memory_space<smem>>
      memref.store %div3A_33, %arg3[%swap3A_34] : memref<1xf32, #tpu.memory_space<smem>>
    } else {
    }
    return
  }
  func.func @transform_0(%arg0: i32) -> (i32, i32) {
    %c0_i32 = arith.constant 0 : i32
    %c0_i32_0 = arith.constant 0 : i32
    return %c0_i32, %arg0 : i32, i32
  }
  func.func @transform_1(%arg0: i32) -> (i32, i32) {
    %c0_i32 = arith.constant 0 : i32
    %c0_i32_0 = arith.constant 0 : i32
    %c0_i32_1 = arith.constant 0 : i32
    return %c0_i32, %c0_i32_0 : i32, i32
  }
  func.func @transform_2(%arg0: i32) -> i32 {
    %c0_i32 = arith.constant 0 : i32
    %c0_i32_0 = arith.constant 0 : i32
    return %c0_i32 : i32
  }
}

</mosaic_0001>

<sc_bundles>
// kernel: kernel.4.cloned.1.call-start
scs
__scs_entry_jumppad:
0x0: {  	(pc) =	sbr.rel $0x88, $3  }
0x1: {  	(tag) =	ssettag $0x0;
	lr =	simm.s32 $0x1  }
0x2: {  	[smem:$0x3F9F] =	sst lr;
	_ =	strace $0xD0000000  }
0x3: {  	_ = 	snop  }
0x4: {  	_ = 	snop  }
0x5: {  	_ = 	snop  }
0x6: {  	_ = 	snop  }
0x7: {  	_ = 	snop  }
__scs_overlays_trampoline_lowered:
0x8: {  	[smem:$0x3FAE] =	sst s0  }
0x9: {  	[smem:$0x3FAF] =	sst s1  }
0xa: {  	[smem:$0x3FB0] =	sst s2  }
0xb: {  	[smem:$0x3FB1] =	sst s3  }
0xc: {  	[smem:$0x3FB2] =	sst s4  }
0xd: {  	[smem:$0x3FB3] =	sst s5  }
0xe: {  	[smem:$0x3FB4] =	sst s6  }
0xf: {  	[smem:$0x3FB5] =	sst s7  }
0x10: {  	[smem:$0x3FB6] =	sst s8  }
0x11: {  	[smem:$0x3FB7] =	sst s9;
	s0 =	simm.s32 @!p0 $0x0  }
0x12: {  	s1 =	sld [smem:$0x3F9D];
	s0 =	simm.s32 @p0 $0x1  }
0x13: {  	[smem:$0x3FB8] =	sst s0;
	s0 =	simm.s32 @!p1 $0x0  }
0x14: {  	s2 =	sld [smem:$0x3F9C];
	s0 =	simm.s32 @p1 $0x1  }
0x15: {  	[smem:$0x3FB9] =	sst s0;
	s0 =	simm.s32 @!p2 $0x0  }
0x16: {  	s3 =	sld [smem:$0x3FDB];
	s0 =	simm.s32 @p2 $0x1  }
0x17: {  	s4 =	simm.s32 $0x1BF5;
	[smem:$0x3FBB] =	sst s0  }
0x18: {  	s0 =	sld [smem:$0x3F9E];
	_ =	swait.ge [sflag:s4], $0x0  }
0x19: {  	s7 =	sld [smem:$0x3F9F]  }
0x1a: {  	s8 =	sadd.s32 $0xFFFFE003, lr  }
0x1b: {  	s9 =	sadd.s32 $0xFFFFFEF7, lr;
	s5 =	simm.s32 $0xFFFFFFFF;
	p2 =	slt.u32 s8, $0xFFFFF086  }
0x1c: {  	p1 =	slt.u32 s9, $0xF7A;
	s5 =	simm.s32 @!p2 $0x0  }
0x1d: {  	s5 =	simm.s32 @p1 $0x1;
	p0 =	seq.s32 s7, s2  }
0x1e: {  	s7 =	smul.u32 @!p0 $0xF7A, s2;
	p2 =	seq.s32 @!p0 s5, $0x0  }
0x1f: {  	s9 =	smul.u32 $0xF7A, s1;
	s8 =	simm.s32 @!p0 $0x1BF5;
	p2 =	por !p2, p0  }
0x20: {  	[sflag:s8] =	ssyncset.s32 @!p0 $0xFFFFF086;
	s6 =	sadd.s32 @!p0 s3, s7;
	s7 =	simm.s32 @!p0 $0x108  }
0x21: {  	s3 =	sadd.s32 s3, s9;
	s6 =	sadd.s32 @!p0 $0x88, s6;
	s7 =	simm.s32 @p2 $0x1082  }
0x22: {  	[simem:s7], [sflag:s8] =	dma.local @!p0 [hbm:s6], $0xF7A  }
0x23: {  	s9 =	sor.u32 $0xD0000000, s2;
	s6 =	simm.s32 $0x108;
	_ =	swait.ge @!p0 [sflag:s8], $0x0  }
0x24: {  	s3 =	sadd.s32 $0x88, s3;
	s6 =	simm.s32 @!p1 $0x1082;
	[sflag:s4] =	ssyncset.s32 $0xFFFFF086  }
0x25: {  	[simem:s6], [sflag:s4] =	dma.local [hbm:s3], $0xF7A  }
0x26: {  	[smem:$0x3F9F] =	sst s1;
	(tag) =	ssettag s2;
	_ =	strace s9  }
0x27: {  	s1 =	sld [smem:$0x3FAF]  }
0x28: {  	s2 =	sld [smem:$0x3FB0]  }
0x29: {  	s4 =	sld [smem:$0x3FB2]  }
0x2a: {  	p0 =	seq.s32 s5, $0x0;
	s5 =	sld [smem:$0x3FB3]  }
0x2b: {  	s6 =	sld [smem:$0x3FB4]  }
0x2c: {  	s7 =	sld [smem:$0x3FB5]  }
0x2d: {  	s3 =	simm.s32 $0x108;
	s8 =	sld [smem:$0x3FB6]  }
0x2e: {  	s3 =	simm.s32 @!p0 $0x1082;
	s9 =	sld [smem:$0x3FB7]  }
0x2f: {  	lr =	sadd.s32 s0, s3;
	s0 =	sld [smem:$0x3FAE]  }
0x30: {  	s3 =	sld [smem:$0x3FB1]  }
0x31: {  	[smem:$0x3FBA] =	sst s10  }
0x32: {  	s10 =	sld [smem:$0x3FB8];
	_ =	sdelay $0x3  }
0x33: {  	p0 =	seq.s32 s10, $0x1;
	s10 =	sld [smem:$0x3FBA];
	_ =	sdelay $0x3  }
0x34: {  	[smem:$0x3FBA] =	sst s10  }
0x35: {  	s10 =	sld [smem:$0x3FB9];
	_ =	sdelay $0x3  }
0x36: {  	p1 =	seq.s32 s10, $0x1;
	s10 =	sld [smem:$0x3FBA];
	_ =	sdelay $0x3  }
0x37: {  	[smem:$0x3FBA] =	sst s10  }
0x38: {  	s10 =	sld [smem:$0x3FBB]  }
0x39: {  	_ = 	snop;
	(pc) =	sbr.ind lr, $3  }
0x3a: {  	_ = 	snop  }
0x3b: {  	_ = 	snop  }
0x3c: {  	p2 =	seq.s32 s10, $0x1;
	s10 =	sld [smem:$0x3FBA]  }
0x3d: {  	_ =	shalt  }
0x3e: {  	_ =	shalt  }
0x3f: {  	_ =	shalt  }
0x40: {  	_ =	shalt  }
0x41: {  	_ =	shalt  }
0x42: {  	_ =	shalt  }
0x43: {  	_ =	shalt  }
0x44: {  	_ =	shalt  }
0x45: {  	_ =	shalt  }
0x46: {  	_ =	shalt  }
0x47: {  	_ =	shalt  }
0x48: {  	_ =	shalt  }
0x49: {  	_ =	shalt  }
0x4a: {  	_ =	shalt  }
0x4b: {  	_ =	shalt  }
0x4c: {  	_ =	shalt  }
0x4d: {  	_ =	shalt  }
0x4e: {  	_ =	shalt  }
0x4f: {  	_ =	shalt  }
0x50: {  	_ =	shalt  }
0x51: {  	_ =	shalt  }
0x52: {  	_ =	shalt  }
0x53: {  	_ =	shalt  }
0x54: {  	_ =	shalt  }
0x55: {  	_ =	shalt  }
0x56: {  	_ =	shalt  }
0x57: {  	_ =	shalt  }
0x58: {  	_ =	shalt  }
0x59: {  	_ =	shalt  }
0x5a: {  	_ =	shalt  }
0x5b: {  	_ =	shalt  }
0x5c: {  	_ =	shalt  }
0x5d: {  	_ =	shalt  }
0x5e: {  	_ =	shalt  }
0x5f: {  	_ =	shalt  }
0x60: {  	_ =	shalt  }
0x61: {  	_ =	shalt  }
0x62: {  	_ =	shalt  }
0x63: {  	_ =	shalt  }
0x64: {  	_ =	shalt  }
0x65: {  	_ =	shalt  }
0x66: {  	_ =	shalt  }
0x67: {  	_ =	shalt  }
0x68: {  	_ =	shalt  }
0x69: {  	_ =	shalt  }
0x6a: {  	_ =	shalt  }
0x6b: {  	_ =	shalt  }
0x6c: {  	_ =	shalt  }
0x6d: {  	_ =	shalt  }
0x6e: {  	_ =	shalt  }
0x6f: {  	_ =	shalt  }
0x70: {  	_ =	shalt  }
0x71: {  	_ =	shalt  }
0x72: {  	_ =	shalt  }
0x73: {  	_ =	shalt  }
0x74: {  	_ =	shalt  }
0x75: {  	_ =	shalt  }
0x76: {  	_ =	shalt  }
0x77: {  	_ =	shalt  }
0x78: {  	_ =	shalt  }
0x79: {  	_ =	shalt  }
0x7a: {  	_ =	shalt  }
0x7b: {  	_ =	shalt  }
0x7c: {  	_ =	shalt  }
0x7d: {  	_ =	shalt  }
0x7e: {  	_ =	shalt  }
0x7f: {  	_ =	shalt  }
0x80: {  	_ =	shalt  }
0x81: {  	_ =	shalt  }
0x82: {  	_ =	shalt  }
0x83: {  	_ =	shalt  }
0x84: {  	_ =	shalt  }
0x85: {  	_ =	shalt  }
0x86: {  	_ =	shalt  }
0x87: {  	_ =	shalt  }
.Lfunc_end0:
.L_simem_size_0:
called_computation_lowered:
.L_overlay_start_0:
0x88: {  	s0 =	sld [smem:$0x3FD9]  }
0x89: {  	s1 =	sld [smem:$0x3FFE];
	_ =	sdelay $0x3  }
0x8a: {  	s0 =	sadd.s32 s1, s0  }
0x8b: {  	[smem:$0x3FC6] =	sst s0  }
0x8c: {  	_ = 	snop  }
0x8d: {  	s0 =	sld [smem:$0x3FC9]  }
0x8e: {  	s17 =	sld [smem:$0x3FC8]  }
0x8f: {  	s2 =	sld [smem:$0x3FD0];
	(tm) =	ssettm $0x1  }
0x90: {  	s3 =	sld [smem:$0x3FFB];
	_ =	sdelay $0x3  }
0x91: {  	_ =	strace s3  }
0x92: {  	s3 =	sld [smem:$0x3FFC];
	_ =	sdelay $0x3  }
0x93: {  	_ =	strace s3  }
0x94: {  	s3 =	sld [smem:$0x3FFD];
	_ =	sdelay $0x3  }
0x95: {  	_ =	strace s3  }
0x96: {  	_ =	strace $0x8FFFFFFF  }
0x97: {  	s18 =	sld [smem:$0x3FDB];
	_ =	sdelay $0x1  }
0x98: {  	s4 =	simm.s32 $_scs_section_size  }
0x99: {  	s5 =	simm.s32 $_size__tile_overlayer_lowered;
	s6 =	simm.s32 $_tile_overlayer_lowered  }
0x9a: {  	s21 =	simm.s32 $0x1BFF;
	s20 =	sshll.u32 s6, $0x1;
	s3 =	sadd.s32 s4, s18  }
0x9b: {  	s7 =	simm.s32 $0x0;
	s19 =	sshll.u32 s5, $0x1;
	s5 =	sadd.s32 s20, s3  }
0x9c: {  	[timem:s7], [sflag:s21] =	dma.local [hbm:s5], s19  }
0x9d: {  	_ =	swait.ge [sflag:s21], s19  }
0x9e: {  	s4 =	ssub.s32 $0x0, s19;
	[sflag:s21] =	ssyncset.done $0x0  }
0x9f: {  	[sflag:s21] =	ssyncadd.s32 s4;
	_ =	sdelay $0x1  }
0xa0: {  	s22 =	simm.s32 $0x1B8B  }
0xa1: {  	_ =	swait.ge [sflag:s22], $0x1  }
0xa2: {  	[sflag:s22] =	ssyncset.done $0x0  }
0xa3: {  	s23 =	simm.s32 $0x1B8E;
	[sflag:s22] =	ssyncadd.s32 $0xFFFFFFFF  }
0xa4: {  	s24 =	simm.s32 $execute0_lowered;
	[smem:$0x3FD2] =	sst s23  }
0xa5: {  	s4 =	sshll.u32 s24, $0x1;
	_ =	strace $0x80000046;
	[dreg:$0x1] =	wrdreg $0xFFFFFFFF  }
0xa6: {  	s25 =	simm.s32 $_size_execute0_lowered;
	s3 =	sadd.s32 s3, s4;
	[dreg:$0x0] =	wrdreg $0x0  }
0xa7: {  	s4 =	sshll.u32 s25, $0x1;
	[dreg:$0x2] =	wrdreg s3  }
0xa8: {  	[dreg:$0x3] =	wrdreg s4  }
0xa9: {  	[dreg:$0x4] =	wrdreg $0xC0  }
0xaa: {  	_ =	task [dreg:s7], $0x5FFFF  }
0xab: {  	[dreg:$0x1] =	wrdreg $0xFFFFFFFF  }
0xac: {  	[dreg:$0x0] =	wrdreg $0x60  }
0xad: {  	[dreg:$0x2] =	wrdreg s0  }
0xae: {  	[dreg:$0x3] =	wrdreg s17  }
0xaf: {  	[dreg:$0x4] =	wrdreg s2  }
0xb0: {  	[dreg:$0x5] =	wrdreg $0x9  }
0xb1: {  	_ =	task.clear_ibuf [dreg:s7], $0x6FFFF;
	_ =	strace $0x90000046  }
0xb2: {  	s26 =	simm.s32 $0x9;
	_ =	strace $0x80000048  }
0xb3: {  	_ =	swait.ge [sflag:s26], $0x1  }
0xb4: {  	[sflag:s26] =	ssyncadd.s32 $0xFFFFFFFF  }
0xb5: {  	_ =	strace $0x90000048  }
0xb6: {  	_ =	sfence  }
0xb7: {  	s28 =	sld [smem:$0x0];
	_ =	sdelay $0x1  }
0xb8: {  	s29 =	srdreg.scid  }
0xb9: {  	s30 =	sshll.u32 s29, $0xD;
	s31 =	sshrl.u32 s29, $0x2  }
0xba: {  	s1 =	sand.u32 $0x1, s29;
	s2 =	sand.u32 $0x4000, s30;
	s0 =	sadd.s32 s31, s28  }
0xbb: {  	s1 =	sor.u32 s2, s1;
	s0 =	sshll.u32 s0, $0x11  }
0xbc: {  	s0 =	sor.u32 s0, s1  }
0xbd: {  	s0 =	sadd.s32 $0x8F2B, s0  }
0xbe: {  	[sflag:s0] =	ssyncadd.remote.s32 $0x1  }
0xbf: {  	_ =	sfence.sel $0xFFFF  }
0xc0: {  	[dreg:$0x0] =	wrdreg $0xFFFFFFFF;
	(pc) =	sbr.abs _section_cstart, $3  }
0xc1: {  	[dreg:$0x1] =	wrdreg $0xFFFFFFFF  }
0xc2: {  	_ =	task.clear_ibuf [dreg:s7], $0x2FFFF;
	_ =	strace $0x9FFFFFFF  }
0xc3: {  	(tm) =	ssettm $0x7FFFFFFF  }
tec
execute0_lowered:
.L_overlay_start_1:
0x0: {  	(tag) =	ssettag $0x1  }
0x1: {  	s1 =	stileid.u32  }
0x2: {  	p0 =	sgt.u32 s1, $0x7  }
.Ltmp0:
0x3: {  	s7 =	rddreg [dreg:$0x0];
	(pc) =	sbr.rel @p0 .LBB2_2-.Ltmp0, $4  }
0x4: {  	s4 =	rddreg [dreg:$0x1]  }
0x5: {  	s3 =	rddreg [dreg:$0x2];
	s2 =	simm.s32 $0x0  }
0x6: {  	[smem:$0x7FF] =	sst s2  }
0x7: {  	s0 =	rddreg [dreg:$0x3];
	_ =	strace $0x80000047  }
0x8: {  	s5 =	sshll.u32 s1, $0x1  }
0x9: {  	s4 =	sadd.s32 s4, s5  }
0xa: {  	[tilespmem:s2], [sflag:$0x2] =	stream.linear.gather [hbm4b:s4+s2], $0x10, $0x38;
	[tilespmem:$0x4100] =	vst v63  }
0xb: {  	s4 =	simm.s32 $0x2  }
0xc: {  	_ =	swait.ge [sflag:s4], $0x10  }
0xd: {  	[sflag:s4] =	ssyncset.done $0x0  }
0xe: {  	[sflag:s4] =	ssyncadd.s32 $0xFFFFFFF0  }
0xf: {  	v0 =	vld [tilespmem:$0x0];
	_ =	sdelay $0x3  }
0x10: {  	vm0 =	vmmov $0x1  }
0x11: {  	v1 =	vnsel vm0, $0x0, v0  }
0x12: {  	v1 =	vxor.u32 $0x80000000, v1  }
0x13: {  	(xrf0) =	vmax.scan.msk.u32 $0xffff, v1;
	_ =	sdelay $0x3  }
0x14: {  	vm10 =	vcmask $0x308  }
0x15: {  	v35 =	vsel vm10, $0x0, v0  }
0x16: {  	v1 =	vxor.u32 $0x80000000, v35;
	v2, _, _ =	vpop (xrf0)  }
0x17: {  	(xrf0) =	vmax.scan.msk.u32 $0xffff, v1;
	(v2sf) =	vpush v2, $0xF;
	_ =	sdelay $0x2  }
0x18: {  	vm11 =	vcmask $0x70C  }
0x19: {  	v36 =	vsel vm11, $0x0, v0  }
0x1a: {  	v1 =	vxor.u32 $0x80000000, v36  }
0x1b: {  	v37, _, _ =	vpop (xrf0);
	(xrf0) =	vmax.scan.msk.u32 $0xffff, v1  }
0x1c: {  	(v2sf) =	vpush v37, $0xF;
	_ =	sdelay $0x1  }
0x1d: {  	vm12 =	vcmask $0xB10  }
0x1e: {  	v38 =	vsel vm12, $0x0, v0  }
0x1f: {  	v1 =	vxor.u32 $0x80000000, v38  }
0x20: {  	v39, _, _ =	vpop (xrf0);
	(xrf0) =	vmax.scan.msk.u32 $0xffff, v1;
	_ =	sdelay $0x1  }
0x21: {  	(v2sf) =	vpush v39, $0xF  }
0x22: {  	s6 =	spop (v2sf)  }
0x23: {  	vm13 =	vcmask $0xF14;
	s6 =	sshll.u32 s6, $0x3  }
0x24: {  	s8 =	sshll.u32 s1, $0x13;
	v40 =	vsel vm13, $0x0, v0;
	s6 =	sand.u32 $0xFFFFFC00, s6  }
0x25: {  	v41 =	vxor.u32 $0x80000000, v40;
	v1, _, _ =	vpop (xrf0);
	s6 =	sadd.s32 s8, s6  }
0x26: {  	(xrf0) =	vmax.scan.msk.u32 $0xffff, v41;
	(v2sf) =	vpush v1, $0xF;
	s6 =	sshrl.u32 s6, $0x3  }
0x27: {  	s9 =	sadd.s32 s7, s6;
	s6 =	simm.s32 $0x80  }
0x28: {  	[tilespmem:s6], [sflag:$0x1] =	stream.linear.gather [hbm4b:s9+s2], $0x400, $0x38;
	[tilespmem:$0x4100] =	vst v63  }
0x29: {  	vm14 =	vcmask $0x1318;
	s20 =	spop (v2sf)  }
0x2a: {  	v42 =	vsel vm14, $0x0, v0;
	s9 =	sshll.u32 s20, $0x3  }
0x2b: {  	v1 =	vxor.u32 $0x80000000, v42;
	s9 =	sand.u32 $0xFFFFFC00, s9  }
0x2c: {  	v43, _, _ =	vpop (xrf0);
	(xrf0) =	vmax.scan.msk.u32 $0xffff, v1;
	s9 =	sadd.s32 s8, s9  }
0x2d: {  	s9 =	sshrl.u32 s9, $0x3  }
0x2e: {  	s10 =	simm.s32 $0x480;
	(v2sf) =	vpush v43, $0xF;
	s9 =	sadd.s32 s7, s9  }
0x2f: {  	vm15 =	vcmask $0x171C;
	[tilespmem:s10], [sflag:$0x1] =	stream.linear.gather [hbm4b:s9+s2], $0x400, $0x38;
	[tilespmem:$0x4100] =	vst v63  }
0x30: {  	v44 =	vsel vm15, $0x0, v0;
	s21 =	spop (v2sf)  }
0x31: {  	v1 =	vxor.u32 $0x80000000, v44;
	s9 =	sshll.u32 s21, $0x3  }
0x32: {  	s9 =	sand.u32 $0xFFFFFC00, s9;
	v45, _, _ =	vpop (xrf0);
	(xrf0) =	vmax.scan.msk.u32 $0xffff, v1  }
0x33: {  	s9 =	sadd.s32 s8, s9  }
0x34: {  	s9 =	sshrl.u32 s9, $0x3  }
0x35: {  	s22 =	simm.s32 $0x880;
	vm4 =	vcmask $0x1B20;
	s9 =	sadd.s32 s7, s9;
	s23 =	spop (v2sf);
	(v2sf) =	vpush v45, $0xF  }
0x36: {  	v46 =	vsel vm4, $0x0, v0;
	[tilespmem:s22], [sflag:$0x1] =	stream.linear.gather [hbm4b:s9+s2], $0x400, $0x38;
	[tilespmem:$0x4100] =	vst v63  }
0x37: {  	v1 =	vxor.u32 $0x80000000, v46;
	s9 =	sshll.u32 s23, $0x3  }
0x38: {  	s9 =	sand.u32 $0xFFFFFC00, s9;
	v47, _, _ =	vpop (xrf0);
	(xrf0) =	vmax.scan.msk.u32 $0xffff, v1  }
0x39: {  	s9 =	sadd.s32 s8, s9  }
0x3a: {  	(v2sf) =	vpush v47, $0xF;
	s9 =	sshrl.u32 s9, $0x3  }
0x3b: {  	s24 =	simm.s32 $0xC80;
	s9 =	sadd.s32 s7, s9  }
0x3c: {  	vm5 =	vcmask $0x1F24;
	[tilespmem:s24], [sflag:$0x1] =	stream.linear.gather [hbm4b:s9+s2], $0x400, $0x38;
	[tilespmem:$0x4100] =	vst v63  }
0x3d: {  	v48 =	vsel vm5, $0x0, v0;
	s25 =	spop (v2sf)  }
0x3e: {  	v49 =	vxor.u32 $0x80000000, v48;
	s9 =	sshll.u32 s25, $0x3;
	v1, _, _ =	vpop (xrf0)  }
0x3f: {  	s9 =	sand.u32 $0xFFFFFC00, s9;
	(xrf0) =	vmax.scan.msk.u32 $0xffff, v49;
	(v2sf) =	vpush v1, $0xF  }
0x40: {  	s9 =	sadd.s32 s8, s9  }
0x41: {  	s9 =	sshrl.u32 s9, $0x3  }
0x42: {  	s26 =	simm.s32 $0x1080;
	s9 =	sadd.s32 s7, s9  }
0x43: {  	vm6 =	vcmask $0x2328;
	[tilespmem:s26], [sflag:$0x1] =	stream.linear.gather [hbm4b:s9+s2], $0x400, $0x38;
	[tilespmem:$0x4100] =	vst v63  }
0x44: {  	v50 =	vsel vm6, $0x0, v0;
	s28 =	spop (v2sf)  }
0x45: {  	v1 =	vxor.u32 $0x80000000, v50;
	v51, _, _ =	vpop (xrf0);
	s9 =	sshll.u32 s28, $0x3  }
0x46: {  	(xrf0) =	vmax.scan.msk.u32 $0xffff, v1;
	(v2sf) =	vpush v51, $0xF;
	s9 =	sand.u32 $0xFFFFFC00, s9  }
0x47: {  	s9 =	sadd.s32 s8, s9  }
0x48: {  	s9 =	sshrl.u32 s9, $0x3  }
0x49: {  	s29 =	simm.s32 $0x1480;
	vm7 =	vcmask $0x272C;
	s30 =	spop (v2sf);
	s9 =	sadd.s32 s7, s9  }
0x4a: {  	v52 =	vsel vm7, $0x0, v0;
	[tilespmem:s29], [sflag:$0x1] =	stream.linear.gather [hbm4b:s9+s2], $0x400, $0x38;
	[tilespmem:$0x4100] =	vst v63  }
0x4b: {  	v1 =	vxor.u32 $0x80000000, v52;
	s9 =	sshll.u32 s30, $0x3  }
0x4c: {  	v53, _, _ =	vpop (xrf0);
	(xrf0) =	vmax.scan.msk.u32 $0xffff, v1;
	s9 =	sand.u32 $0xFFFFFC00, s9  }
0x4d: {  	s9 =	sadd.s32 s8, s9  }
0x4e: {  	s9 =	sshrl.u32 s9, $0x3;
	s10 =	spop (v2sf);
	(v2sf) =	vpush v53, $0xF  }
0x4f: {  	s31 =	simm.s32 $0x1880;
	vm8 =	vcmask $0x2B30;
	s9 =	sadd.s32 s7, s9  }
0x50: {  	v54 =	vsel vm8, $0x0, v0;
	[tilespmem:s31], [sflag:$0x1] =	stream.linear.gather [hbm4b:s9+s2], $0x400, $0x38;
	[tilespmem:$0x4100] =	vst v63  }
0x51: {  	v1 =	vxor.u32 $0x80000000, v54;
	s9 =	sshll.u32 s10, $0x3  }
0x52: {  	v55, _, _ =	vpop (xrf0);
	(xrf0) =	vmax.scan.msk.u32 $0xffff, v1;
	s9 =	sand.u32 $0xFFFFFC00, s9  }
0x53: {  	(v2sf) =	vpush v55, $0xF;
	s9 =	sadd.s32 s8, s9  }
0x54: {  	s9 =	sshrl.u32 s9, $0x3  }
0x55: {  	s11 =	simm.s32 $0x1C80;
	vm9 =	vcmask $0x2F34;
	s9 =	sadd.s32 s7, s9;
	s12 =	spop (v2sf)  }
0x56: {  	v56 =	vsel vm9, $0x0, v0;
	[tilespmem:s11], [sflag:$0x1] =	stream.linear.gather [hbm4b:s9+s2], $0x400, $0x38;
	[tilespmem:$0x4100] =	vst v63  }
0x57: {  	v57 =	vxor.u32 $0x80000000, v56;
	s9 =	sshll.u32 s12, $0x3  }
0x58: {  	s8 =	sor.u32 $0x40000, s8;
	s9 =	sand.u32 $0xFFFFFC00, s9;
	v1, _, _ =	vpop (xrf0);
	(xrf0) =	vmax.scan.msk.u32 $0xffff, v57  }
0x59: {  	s9 =	sadd.s32 s8, s9;
	(v2sf) =	vpush v1, $0xF  }
0x5a: {  	s9 =	sshrl.u32 s9, $0x3  }
0x5b: {  	s13 =	simm.s32 $0x2080;
	s9 =	sadd.s32 s7, s9  }
0x5c: {  	[tilespmem:s13], [sflag:$0x1] =	stream.linear.gather [hbm4b:s9+s2], $0x400, $0x38;
	[tilespmem:$0x4100] =	vst v63  }
0x5d: {  	vm10 =	vcmask $0x3338;
	s14 =	spop (v2sf)  }
0x5e: {  	v58 =	vsel vm10, $0x0, v0;
	v59, _, _ =	vpop (xrf0);
	s9 =	sshll.u32 s14, $0x3  }
0x5f: {  	v1 =	vxor.u32 $0x80000000, v58;
	(v2sf) =	vpush v59, $0xF;
	s9 =	sand.u32 $0xFFFFFC00, s9  }
0x60: {  	(xrf0) =	vmax.scan.msk.u32 $0xffff, v1;
	s9 =	sadd.s32 s8, s9  }
0x61: {  	s9 =	sshrl.u32 s9, $0x3  }
0x62: {  	s15 =	simm.s32 $0x2480;
	s16 =	spop (v2sf);
	s9 =	sadd.s32 s7, s9  }
0x63: {  	[tilespmem:s15], [sflag:$0x1] =	stream.linear.gather [hbm4b:s9+s2], $0x400, $0x38;
	[tilespmem:$0x4100] =	vst v63  }
0x64: {  	vm11 =	vcmask $0x373C;
	s9 =	sshll.u32 s16, $0x3  }
0x65: {  	v60 =	vsel vm11, $0x0, v0;
	s9 =	sand.u32 $0xFFFFFC00, s9  }
0x66: {  	v1 =	vxor.u32 $0x80000000, v60;
	v61, _, _ =	vpop (xrf0);
	s9 =	sadd.s32 s8, s9  }
0x67: {  	(xrf0) =	vmax.scan.msk.u32 $0xffff, v1;
	(v2sf) =	vpush v61, $0xF;
	s9 =	sshrl.u32 s9, $0x3  }
0x68: {  	s17 =	simm.s32 $0x2880;
	s18 =	spop (v2sf);
	s9 =	sadd.s32 s7, s9  }
0x69: {  	[tilespmem:s17], [sflag:$0x1] =	stream.linear.gather [hbm4b:s9+s2], $0x400, $0x38;
	[tilespmem:$0x4100] =	vst v63  }
0x6a: {  	s9 =	sshll.u32 s18, $0x3  }
0x6b: {  	vm12 =	vmmov $0x7fff;
	s9 =	sand.u32 $0xFFFFFC00, s9  }
0x6c: {  	v0 =	vsel vm12, $0x0, v0;
	s9 =	sadd.s32 s8, s9  }
0x6d: {  	v0 =	vxor.u32 $0x80000000, v0;
	v1, _, _ =	vpop (xrf0);
	s9 =	sshrl.u32 s9, $0x3  }
0x6e: {  	s19 =	simm.s32 $0x2C80;
	(xrf0) =	vmax.scan.msk.u32 $0xffff, v0;
	(v2sf) =	vpush v1, $0xF;
	s9 =	sadd.s32 s7, s9;
	s20 =	spop (v2sf)  }
0x6f: {  	[tilespmem:s19], [sflag:$0x1] =	stream.linear.gather [hbm4b:s9+s2], $0x400, $0x38;
	[tilespmem:$0x4100] =	vst v63  }
0x70: {  	s9 =	sshll.u32 s20, $0x3  }
0x71: {  	s9 =	sand.u32 $0xFFFFFC00, s9  }
0x72: {  	s9 =	sadd.s32 s8, s9  }
0x73: {  	s9 =	sshrl.u32 s9, $0x3  }
0x74: {  	s21 =	simm.s32 $0x3080;
	v0, _, _ =	vpop (xrf0);
	s9 =	sadd.s32 s7, s9  }
0x75: {  	(v2sf) =	vpush v0, $0xF;
	[tilespmem:s21], [sflag:$0x1] =	stream.linear.gather [hbm4b:s9+s2], $0x400, $0x38;
	[tilespmem:$0x4100] =	vst v63  }
0x76: {  	s22 =	spop (v2sf)  }
0x77: {  	s9 =	sshll.u32 s22, $0x3  }
0x78: {  	s9 =	sand.u32 $0xFFFFFC00, s9  }
0x79: {  	s9 =	sadd.s32 s8, s9  }
0x7a: {  	s9 =	sshrl.u32 s9, $0x3  }
0x7b: {  	s23 =	simm.s32 $0x3480;
	s9 =	sadd.s32 s7, s9  }
0x7c: {  	[tilespmem:s23], [sflag:$0x1] =	stream.linear.gather [hbm4b:s9+s2], $0x400, $0x38;
	[tilespmem:$0x4100] =	vst v63  }
0x7d: {  	s24 =	spop (v2sf)  }
0x7e: {  	s9 =	sshll.u32 s24, $0x3  }
0x7f: {  	s9 =	sand.u32 $0xFFFFFC00, s9  }
0x80: {  	s9 =	sadd.s32 s8, s9  }
0x81: {  	s9 =	sshrl.u32 s9, $0x3  }
0x82: {  	s25 =	simm.s32 $0x3880;
	s9 =	sadd.s32 s7, s9  }
0x83: {  	[tilespmem:s25], [sflag:$0x1] =	stream.linear.gather [hbm4b:s9+s2], $0x400, $0x38;
	[tilespmem:$0x4100] =	vst v63  }
0x84: {  	s26 =	spop (v2sf)  }
0x85: {  	s9 =	sshll.u32 s26, $0x3  }
0x86: {  	s9 =	sand.u32 $0xFFFFFC00, s9  }
0x87: {  	s8 =	sadd.s32 s8, s9  }
0x88: {  	s8 =	sshrl.u32 s8, $0x3  }
0x89: {  	s29 =	simm.s32 $0x3C80;
	s30 =	simm.s32 $0x1;
	s28 =	sadd.s32 s7, s8  }
0x8a: {  	[tilespmem:s29], [sflag:$0x1] =	stream.linear.gather [hbm4b:s28+s2], $0x400, $0x38;
	[tilespmem:$0x4100] =	vst v63  }
0x8b: {  	_ =	swait.ge [sflag:s30], $0x400  }
0x8c: {  	[sflag:s30] =	ssyncset.done $0x0  }
0x8d: {  	[sflag:s30] =	ssyncadd.s32 $0xFFFFFC00  }
0x8e: {  	_ =	swait.ge [sflag:s30], $0x400  }
0x8f: {  	[sflag:s30] =	ssyncset.done $0x0  }
0x90: {  	[sflag:s30] =	ssyncadd.s32 $0xFFFFFC00  }
0x91: {  	_ =	swait.ge [sflag:s30], $0x400  }
0x92: {  	[sflag:s30] =	ssyncset.done $0x0  }
0x93: {  	[sflag:s30] =	ssyncadd.s32 $0xFFFFFC00  }
0x94: {  	_ =	swait.ge [sflag:s30], $0x400  }
0x95: {  	[sflag:s30] =	ssyncset.done $0x0  }
0x96: {  	[sflag:s30] =	ssyncadd.s32 $0xFFFFFC00  }
0x97: {  	_ =	swait.ge [sflag:s30], $0x400  }
0x98: {  	[sflag:s30] =	ssyncset.done $0x0  }
0x99: {  	[sflag:s30] =	ssyncadd.s32 $0xFFFFFC00  }
0x9a: {  	_ =	swait.ge [sflag:s30], $0x400  }
0x9b: {  	[sflag:s30] =	ssyncset.done $0x0  }
0x9c: {  	[sflag:s30] =	ssyncadd.s32 $0xFFFFFC00  }
0x9d: {  	_ =	swait.ge [sflag:s30], $0x400  }
0x9e: {  	[sflag:s30] =	ssyncset.done $0x0  }
0x9f: {  	[sflag:s30] =	ssyncadd.s32 $0xFFFFFC00  }
0xa0: {  	_ =	swait.ge [sflag:s30], $0x400  }
0xa1: {  	[sflag:s30] =	ssyncset.done $0x0  }
0xa2: {  	[sflag:s30] =	ssyncadd.s32 $0xFFFFFC00  }
0xa3: {  	_ =	swait.ge [sflag:s30], $0x400  }
0xa4: {  	[sflag:s30] =	ssyncset.done $0x0  }
0xa5: {  	[sflag:s30] =	ssyncadd.s32 $0xFFFFFC00  }
0xa6: {  	_ =	swait.ge [sflag:s30], $0x400  }
0xa7: {  	[sflag:s30] =	ssyncset.done $0x0  }
0xa8: {  	[sflag:s30] =	ssyncadd.s32 $0xFFFFFC00  }
0xa9: {  	_ =	swait.ge [sflag:s30], $0x400  }
0xaa: {  	[sflag:s30] =	ssyncset.done $0x0  }
0xab: {  	[sflag:s30] =	ssyncadd.s32 $0xFFFFFC00  }
0xac: {  	_ =	swait.ge [sflag:s30], $0x400  }
0xad: {  	[sflag:s30] =	ssyncset.done $0x0  }
0xae: {  	[sflag:s30] =	ssyncadd.s32 $0xFFFFFC00  }
0xaf: {  	_ =	swait.ge [sflag:s30], $0x400  }
0xb0: {  	[sflag:s30] =	ssyncset.done $0x0  }
0xb1: {  	v62 =	vimm.s32 $0x3F80;
	vm13 =	vcmask $0x300;
	[sflag:s30] =	ssyncadd.s32 $0xFFFFFC00  }
0xb2: {  	vm14 =	vcmask $0x704;
	v0 =	vsel vm13, $0x0, v62;
	_ =	swait.ge [sflag:s30], $0x400  }
0xb3: {  	vm15 =	vcmask $0xB08;
	v0 =	vsel vm14, $0x480, v0;
	[sflag:s30] =	ssyncset.done $0x0  }
0xb4: {  	vm4 =	vcmask $0xF0C;
	v0 =	vsel vm15, $0x900, v0;
	[sflag:s30] =	ssyncadd.s32 $0xFFFFFC00  }
0xb5: {  	vm5 =	vcmask $0x1310;
	v0 =	vsel vm4, $0xD80, v0;
	_ =	swait.ge [sflag:s30], $0x400  }
0xb6: {  	vm6 =	vcmask $0x1714;
	v0 =	vsel vm5, $0x1200, v0;
	[sflag:s30] =	ssyncset.done $0x0  }
0xb7: {  	vm7 =	vcmask $0x1B18;
	v0 =	vsel vm6, $0x1680, v0;
	[sflag:s30] =	ssyncadd.s32 $0xFFFFFC00  }
0xb8: {  	vm8 =	vcmask $0x1F1C;
	v0 =	vsel vm7, $0x1B00, v0;
	_ =	swait.ge [sflag:s30], $0x400  }
0xb9: {  	vm9 =	vcmask $0x2320;
	v0 =	vsel vm8, $0x1F80, v0;
	[sflag:s30] =	ssyncset.done $0x0  }
0xba: {  	vm10 =	vcmask $0x2724;
	v0 =	vsel vm9, $0x2000, v0;
	[sflag:s30] =	ssyncadd.s32 $0xFFFFFC00  }
0xbb: {  	vm11 =	vcmask $0x2B28;
	v0 =	vsel vm10, $0x2480, v0;
	v63 =	vld [tilespmem:$0x0]  }
0xbc: {  	vm12 =	vcmask $0x2F2C;
	v0 =	vsel vm11, $0x2900, v0  }
0xbd: {  	vm13 =	vcmask $0x3330;
	v0 =	vsel vm12, $0x2D80, v0  }
0xbe: {  	vm14 =	vcmask $0x3734;
	v0 =	vsel vm13, $0x3200, v0  }
0xbf: {  	vm15 =	vcmask $0x3B38;
	v0 =	vsel vm14, $0x3680, v0  }
0xc0: {  	v0 =	vsel vm15, $0x3B00, v0;
	v1 =	vand.u32 $0x7F, v63  }
0xc1: {  	v0 =	vor.u32 v0, v1;
	_ =	sdelay $0x4  }
0xc2: {  	v0 =	vld.idx.msk [tilespmem:v0+s6+$0x0], $0xffff;
	_ =	sdelay $0x4  }
0xc3: {  	s3 =	sadd.s32 s3, s5;
	s31 =	simm.s32 $0x4080;
	[tilespmem:$0x4080] =	vst v0  }
0xc4: {  	[hbm4b:s3+s2] =	stream.linear.scatter [tilespmem:s31], [sflag:$0x2], $0x10, $0x38;
	[tilespmem:$0x4100] =	vst v63  }
0xc5: {  	_ =	swait.ge [sflag:s4], $0x10  }
0xc6: {  	[sflag:s4] =	ssyncset.done $0x0  }
0xc7: {  	[sflag:s4] =	ssyncadd.s32 $0xFFFFFFF0  }
.LBB2_2:
0xc8: {  	_ =	sfence.sel $0x180000  }
0xc9: {  	[bflag:$0x0] =	sbarrier.arrive $0xFFFF  }
0xca: {  	p0 =	sne.s32 s1, $0x0;
	_ =	strace $0x90000047  }
0xcb: {  	s0 =	sadd.s32 @!p0 $0x100000, s0;
	[bflag:$0x2] =	sbarrier.arrive $0xFFFF  }
0xcc: {  	[sflag:s0] =	ssyncadd.tile.s32 @!p0 $0x1;
	_ =	shalt  }
.Lfunc_end2:
_tile_overlayer_lowered:
.L_overlay_start_2:
0xcd: {  	(tag) =	ssettag $0x2  }
0xce: {  	s0 =	rddreg [dreg:$0x0];
	s2 =	stileid.u32  }
0xcf: {  	s1 =	rddreg [dreg:$0x1];
	p0 =	sne.s32 s2, $0x0  }
0xd0: {  	s3 =	rddreg [dreg:$0x2];
	[bflag:$0x3] =	sbarrier.arrive $0xFFFF;
	s2 =	simm.s32 @!p0 $0x1C02  }
0xd1: {  	[timem:s3], [sflag:s2] =	dma.local @!p0 [hbm:s0], s1  }
0xd2: {  	s0 =	simm.s32 @!p0 $0x2  }
0xd3: {  	_ =	swait.ge @!p0 [sflag:s0], s1  }
0xd4: {  	s1 =	ssub.s32 @!p0 $0x0, s1;
	[sflag:s0] =	ssyncset.done @!p0 $0x0  }
0xd5: {  	[sflag:s0] =	ssyncadd.s32 @!p0 s1  }
0xd6: {  	[bflag:$0x3] =	sbarrier.arrive $0xFFFF  }
0xd7: {  	_ =	shalt  }

</sc_bundles>
